<compile_context>
chip_gen: v7x
topology: tpu7x:2x2x1
jax: 0.10.2.dev20260603
libtpu: 0.0.44.dev20260713+nightly
codegen_flags: <defaults>
</compile_context>

<pallas_src>
import functools

import jax
import jax.numpy as jnp
from jax import lax
from jax.experimental import pallas as pl
from jax.experimental.pallas import tpu as pltpu
from jax.experimental.pallas import tpu_sc as plsc

NBINS = 256
LANES = 16
NC = 2
NS = 16
NW = NC * NS
SUBH = LANES * NBINS
UNROLL = 8

_MESH = plsc.VectorSubcoreMesh(core_axis_name="c", subcore_axis_name="s")


ROWS = 32
NCH = 512 // ROWS


@functools.partial(
    pl.kernel,
    out_type=jax.ShapeDtypeStruct((6, NW, NBINS), jnp.float32),
    mesh=_MESH,
    compiler_params=pltpu.CompilerParams(needs_layout_passes=False),
    scratch_types=[
        pltpu.VMEM((ROWS, 512), jnp.float32),
        pltpu.VMEM((ROWS, 512), jnp.float32),
        pltpu.VMEM((ROWS, 512), jnp.float32),
        pltpu.VMEM((ROWS, 512), jnp.float32),
        pltpu.VMEM((6 * SUBH,), jnp.float32),
        pltpu.VMEM((6 * NBINS,), jnp.float32),
        pltpu.SemaphoreType.DMA,
        pltpu.SemaphoreType.DMA,
        pltpu.SemaphoreType.DMA,
        pltpu.SemaphoreType.DMA,
    ],
)
def _sc_hist(i1, i2, out, buf0, buf1, buf2, buf3, hist, hout,
             sem0, sem1, sem2, sem3):
    w = lax.axis_index("s") * NC + lax.axis_index("c")
    lane_off = lax.broadcasted_iota(jnp.int32, (LANES,), 0) * NBINS
    ones = jnp.ones((LANES,), jnp.float32)
    zeros = jnp.zeros((LANES,), jnp.float32)

    pltpu.async_copy(i1.at[w, 0, pl.ds(0, ROWS), :], buf0, sem0)
    pltpu.async_copy(i1.at[w, 0, pl.ds(ROWS, ROWS), :], buf1, sem1)
    pltpu.async_copy(i2.at[w, 0, pl.ds(0, ROWS), :], buf2, sem2)
    pltpu.async_copy(i2.at[w, 0, pl.ds(ROWS, ROWS), :], buf3, sem3)

    @plsc.parallel_loop(0, 6 * SUBH // LANES, unroll=4)
    def _zero(i):
        hist[pl.ds(i * LANES, LANES)] = zeros

    for img, ref, bufs, sems in (
            (0, i1, (buf0, buf1), (sem0, sem1)),
            (1, i2, (buf2, buf3), (sem2, sem3))):

        def _pair(p, _, ref=ref, img=img, bufs=bufs, sems=sems):
            for b in range(2):
                cur, sem = bufs[b], sems[b]
                t = p * 2 + b
                pltpu.make_async_copy(
                    ref.at[w, 0, pl.ds(0, ROWS), :], cur, sem).wait()
                off = (lane_off + (img * 3 + t // NCH) * SUBH - 0x7F00)

                @plsc.parallel_loop(0, ROWS * 512 // LANES, unroll=UNROLL)
                def _vec(i, cur=cur, off=off):
                    r = i // (512 // LANES)
                    j = i % (512 // LANES)
                    x = cur[r, pl.ds(j * LANES, LANES)]
                    bits = plsc.bitcast(x + 1.0, jnp.int32)
                    idx = (bits >> 15) + off
                    plsc.addupdate_scatter(hist, [idx], ones)

                @pl.when(t + 2 < 3 * NCH)
                def _(ref=ref, cur=cur, sem=sem, t=t):
                    u = t + 2
                    pltpu.async_copy(
                        ref.at[w, u // NCH, pl.ds((u % NCH) * ROWS, ROWS), :],
                        cur, sem)

            return 0

        lax.fori_loop(0, 3 * NCH // 2, _pair, 0)

    @plsc.parallel_loop(0, 6 * 16, unroll=1)
    def _drain(r):
        reg = r // 16
        g = r % 16
        vs = [hist[pl.ds(reg * SUBH + s * NBINS + g * LANES, LANES)]
              for s in range(LANES)]
        while len(vs) > 1:
            vs = [vs[i] + vs[i + 1] for i in range(0, len(vs), 2)]
        hout[pl.ds(reg * NBINS + g * LANES, LANES)] = vs[0]

    for r in range(6):
        pltpu.sync_copy(hout.at[pl.ds(r * NBINS, NBINS)], out.at[r, w])


def _tc_loss(h_ref, o_ref):
    h = h_ref[...]
    hs = jnp.sum(h, axis=1)
    tot = jnp.sum(hs, axis=1, keepdims=True)
    hn = hs / tot
    r = lax.broadcasted_iota(jnp.int32, (NBINS, NBINS), 0)
    c = lax.broadcasted_iota(jnp.int32, (NBINS, NBINS), 1)
    m = (r <= c).astype(jnp.float32)
    cdf = lax.dot(hn, m, precision=lax.Precision.HIGHEST,
                  preferred_element_type=jnp.float32)
    d = cdf[0:3, :] - cdf[3:6, :]
    loss = jnp.sum(jnp.abs(d)) / 3.0
    o_ref[...] = jnp.broadcast_to(loss, (1, 1))


def kernel(img1, img2):
    part = _sc_hist(img1, img2)
    out = pl.pallas_call(
        _tc_loss,
        out_shape=jax.ShapeDtypeStruct((1, 1), jnp.float32),
    )(part)
    return out[0, 0]

# --- scband reference (transcript-rebuilt; emitter-appended) ---
"""Pipeline reference for scband-histogram-matching-loss-4363686773218 (READ-ONLY COPY).

The authoritative reference and input builder live on the scoring server;
editing this copy changes nothing except your own understanding.
"""

import jax, jax.numpy as jnp
import numpy as np

NUM_BINS = 256


def _histc(x, bins):
    # Faithful translation of torch.histc(x, bins, min=0.0, max=1.0):
    # values outside [0,1] are ignored; value==1.0 falls in the last bin.
    xf = x.reshape(-1)
    idx = jnp.clip(jnp.floor(xf * bins), 0, bins - 1).astype(jnp.int32)
    idx = jax.lax.stop_gradient(idx)
    in_range = ((xf >= 0.0) & (xf <= 1.0)).astype(jnp.float32)
    return jnp.zeros((bins,), dtype=jnp.float32).at[idx].add(in_range)


def setup_inputs(seed: int = 0) -> dict:
    key = jax.random.key(seed)
    k1, k2 = jax.random.split(key)
    img1 = jax.random.uniform(k1, (32, 3, 512, 512), dtype=jnp.float32)
    img2 = jax.random.uniform(k2, (32, 3, 512, 512), dtype=jnp.float32)
    return {"img1": img1, "img2": img2}


def reference(img1, img2):
    assert img1.shape == img2.shape
    batch_size, channels, height, width = img1.shape
    loss = 0.0
    for c in range(channels):
        hist1 = _histc(img1[:, c, :, :], NUM_BINS)
        hist2 = _histc(img2[:, c, :, :], NUM_BINS)
        hist1 = hist1 / hist1.sum()
        hist2 = hist2 / hist2.sum()
        cdf1 = jnp.cumsum(hist1, axis=0)
        cdf2 = jnp.cumsum(hist2, axis=0)
        channel_loss = jnp.sum(jnp.abs(cdf1 - cdf2))
        loss = loss + channel_loss
    return loss / 3.0

if __name__ == "__main__":
    import jax
    _d = setup_inputs()
    print(jax.jit(kernel)(*tuple(_d.values())))

</pallas_src>

<mosaic_0001>
#map = affine_map<(d0, d1) -> (0, 0, 0, 0)>
#map1 = affine_map<(d0, d1) -> (0, 0, 0)>
module attributes {stable_mosaic.version = 14 : i64} {
  func.func @_sc_hist(%arg0: i32, %arg1: i32, %arg2: memref<32x3x512x512xf32, #tpu.memory_space<hbm>>, %arg3: memref<32x3x512x512xf32, #tpu.memory_space<hbm>>, %arg4: memref<6x32x256xf32, #tpu.memory_space<hbm>>, %arg5: memref<32x512xf32, #tpu.memory_space<vmem>>, %arg6: memref<32x512xf32, #tpu.memory_space<vmem>>, %arg7: memref<32x512xf32, #tpu.memory_space<vmem>>, %arg8: memref<32x512xf32, #tpu.memory_space<vmem>>, %arg9: memref<24576xf32, #tpu.memory_space<vmem>>, %arg10: memref<1536xf32, #tpu.memory_space<vmem>>, %arg11: memref<!tpu.dma_semaphore, #tpu.memory_space<semaphore_mem>>, %arg12: memref<!tpu.dma_semaphore, #tpu.memory_space<semaphore_mem>>, %arg13: memref<!tpu.dma_semaphore, #tpu.memory_space<semaphore_mem>>, %arg14: memref<!tpu.dma_semaphore, #tpu.memory_space<semaphore_mem>>) attributes {dimension_semantics = [#tpu.dimension_semantics<core_parallel>, #tpu.dimension_semantics<subcore_parallel>], iteration_bounds = array<i64: 2, 16>, scalar_prefetch = 0 : i64, scratch_operands = 10 : i64, tpu.core_type = #tpu.core_type<sc_vector_subcore>, window_params = [{transform_indices = #map}, {transform_indices = #map}, {transform_indices = #map1}]} {
    %mul3A = arith.constant 2 : i32
    %mul3A_0 = arith.muli %arg1, %mul3A : i32
    %add3A = arith.addi %mul3A_0, %arg0 : i32
    %iota3A = tpu.iota {dimensions = array<i32: 0>} : vector<16xi32>
    %mul3A_1 = arith.constant 256 : i32
    %mul3A_2 = vector.broadcast %mul3A_1 : i32 to vector<16xi32>
    %mul3A_3 = arith.muli %iota3A, %mul3A_2 : vector<16xi32>
    %broadcast_in_dim3A = arith.constant 1.000000e+00 : f32
    %broadcast_in_dim3A_4 = vector.broadcast %broadcast_in_dim3A : f32 to vector<16xf32>
    %broadcast_in_dim3A_5 = arith.constant 0.000000e+00 : f32
    %broadcast_in_dim3A_6 = vector.broadcast %broadcast_in_dim3A_5 : f32 to vector<16xf32>
    %dma_start3A = arith.constant 0 : i32
    %dma_start3A_7 = arith.constant 0 : i32
    %dma_start3A_8 = arith.constant 0 : i32
    %dma_start3A_9 = tpu.memref_slice %arg2[%add3A, %dma_start3A, %dma_start3A_7, %dma_start3A_8] : memref<32x3x512x512xf32, #tpu.memory_space<hbm>> -> memref<1x1x32x512xf32, #tpu.memory_space<hbm>>
    %dma_start3A_10 = tpu.memref_squeeze %dma_start3A_9 : memref<1x1x32x512xf32, #tpu.memory_space<hbm>> -> memref<32x512xf32, #tpu.memory_space<hbm>>
    %dma_start3A_11 = arith.constant 0 : i32
    %dma_start3A_12 = arith.constant 0 : i32
    %dma_start3A_13 = tpu.memref_slice %arg2[%add3A, %dma_start3A, %dma_start3A_11, %dma_start3A_12] : memref<32x3x512x512xf32, #tpu.memory_space<hbm>> -> memref<1x1x32x512xf32, #tpu.memory_space<hbm>>
    %dma_start3A_14 = tpu.memref_squeeze %dma_start3A_13 : memref<1x1x32x512xf32, #tpu.memory_space<hbm>> -> memref<32x512xf32, #tpu.memory_space<hbm>>
    tpu.enqueue_dma source(%dma_start3A_14 : memref<32x512xf32, #tpu.memory_space<hbm>>) target(%arg5 : memref<32x512xf32, #tpu.memory_space<vmem>>) target_semaphore(%arg11 : memref<!tpu.dma_semaphore, #tpu.memory_space<semaphore_mem>>)
    %dma_start3A_15 = arith.constant 0 : i32
    %dma_start3A_16 = arith.constant 32 : i32
    %dma_start3A_17 = arith.constant 0 : i32
    %dma_start3A_18 = tpu.memref_slice %arg2[%add3A, %dma_start3A_15, %dma_start3A_16, %dma_start3A_17] : memref<32x3x512x512xf32, #tpu.memory_space<hbm>> -> memref<1x1x32x512xf32, #tpu.memory_space<hbm>>
    %dma_start3A_19 = tpu.memref_squeeze %dma_start3A_18 : memref<1x1x32x512xf32, #tpu.memory_space<hbm>> -> memref<32x512xf32, #tpu.memory_space<hbm>>
    %dma_start3A_20 = arith.constant 32 : i32
    %dma_start3A_21 = arith.constant 0 : i32
    %dma_start3A_22 = tpu.memref_slice %arg2[%add3A, %dma_start3A_15, %dma_start3A_20, %dma_start3A_21] : memref<32x3x512x512xf32, #tpu.memory_space<hbm>> -> memref<1x1x32x512xf32, #tpu.memory_space<hbm>>
    %dma_start3A_23 = tpu.memref_squeeze %dma_start3A_22 : memref<1x1x32x512xf32, #tpu.memory_space<hbm>> -> memref<32x512xf32, #tpu.memory_space<hbm>>
    tpu.enqueue_dma source(%dma_start3A_23 : memref<32x512xf32, #tpu.memory_space<hbm>>) target(%arg6 : memref<32x512xf32, #tpu.memory_space<vmem>>) target_semaphore(%arg12 : memref<!tpu.dma_semaphore, #tpu.memory_space<semaphore_mem>>)
    %dma_start3A_24 = arith.constant 0 : i32
    %dma_start3A_25 = arith.constant 0 : i32
    %dma_start3A_26 = arith.constant 0 : i32
    %dma_start3A_27 = tpu.memref_slice %arg3[%add3A, %dma_start3A_24, %dma_start3A_25, %dma_start3A_26] : memref<32x3x512x512xf32, #tpu.memory_space<hbm>> -> memref<1x1x32x512xf32, #tpu.memory_space<hbm>>
    %dma_start3A_28 = tpu.memref_squeeze %dma_start3A_27 : memref<1x1x32x512xf32, #tpu.memory_space<hbm>> -> memref<32x512xf32, #tpu.memory_space<hbm>>
    %dma_start3A_29 = arith.constant 0 : i32
    %dma_start3A_30 = arith.constant 0 : i32
    %dma_start3A_31 = tpu.memref_slice %arg3[%add3A, %dma_start3A_24, %dma_start3A_29, %dma_start3A_30] : memref<32x3x512x512xf32, #tpu.memory_space<hbm>> -> memref<1x1x32x512xf32, #tpu.memory_space<hbm>>
    %dma_start3A_32 = tpu.memref_squeeze %dma_start3A_31 : memref<1x1x32x512xf32, #tpu.memory_space<hbm>> -> memref<32x512xf32, #tpu.memory_space<hbm>>
    tpu.enqueue_dma source(%dma_start3A_32 : memref<32x512xf32, #tpu.memory_space<hbm>>) target(%arg7 : memref<32x512xf32, #tpu.memory_space<vmem>>) target_semaphore(%arg13 : memref<!tpu.dma_semaphore, #tpu.memory_space<semaphore_mem>>)
    %dma_start3A_33 = arith.constant 0 : i32
    %dma_start3A_34 = arith.constant 32 : i32
    %dma_start3A_35 = arith.constant 0 : i32
    %dma_start3A_36 = tpu.memref_slice %arg3[%add3A, %dma_start3A_33, %dma_start3A_34, %dma_start3A_35] : memref<32x3x512x512xf32, #tpu.memory_space<hbm>> -> memref<1x1x32x512xf32, #tpu.memory_space<hbm>>
    %dma_start3A_37 = tpu.memref_squeeze %dma_start3A_36 : memref<1x1x32x512xf32, #tpu.memory_space<hbm>> -> memref<32x512xf32, #tpu.memory_space<hbm>>
    %dma_start3A_38 = arith.constant 32 : i32
    %dma_start3A_39 = arith.constant 0 : i32
    %dma_start3A_40 = tpu.memref_slice %arg3[%add3A, %dma_start3A_33, %dma_start3A_38, %dma_start3A_39] : memref<32x3x512x512xf32, #tpu.memory_space<hbm>> -> memref<1x1x32x512xf32, #tpu.memory_space<hbm>>
    %dma_start3A_41 = tpu.memref_squeeze %dma_start3A_40 : memref<1x1x32x512xf32, #tpu.memory_space<hbm>> -> memref<32x512xf32, #tpu.memory_space<hbm>>
    tpu.enqueue_dma source(%dma_start3A_41 : memref<32x512xf32, #tpu.memory_space<hbm>>) target(%arg8 : memref<32x512xf32, #tpu.memory_space<vmem>>) target_semaphore(%arg14 : memref<!tpu.dma_semaphore, #tpu.memory_space<semaphore_mem>>)
    %parallel_loop3A = arith.constant 0 : i32
    %parallel_loop3A_42 = arith.constant 1536 : i32
    %parallel_loop3A_43 = arith.constant 1 : i32
    scf.for %parallel_loop3A_65 = %parallel_loop3A to %parallel_loop3A_42 step %parallel_loop3A_43  : i32 {
      %parallel_loop3A_66 = arith.constant 16 : i32
      %parallel_loop3A_67 = arith.muli %parallel_loop3A_65, %parallel_loop3A_66 : i32
      %parallel_loop3A_68 = arith.index_cast %parallel_loop3A_67 : i32 to index
      %parallel_loop3A_69 = tpu.vector_load %arg9[%parallel_loop3A_68] {strides = array<i32>} : memref<24576xf32, #tpu.memory_space<vmem>>, vector<16xf32>,
      tpu.vector_store %arg9[%parallel_loop3A_68], %broadcast_in_dim3A_6 {strides = array<i32>} : memref<24576xf32, #tpu.memory_space<vmem>>, vector<16xf32>,
    } {sc.loop_unroll_factor = 4 : i64, sc.parallel_access}
    %scan3A = arith.constant 0 : i32
    %scan3A_44 = arith.constant 0 : i32
    %scan3A_45 = arith.constant 24 : i32
    %scan3A_46 = arith.addi %scan3A_44, %scan3A_45 : i32
    %scan3A_47 = arith.constant 1 : i32
    %scan3A_48 = scf.for %scan3A_65 = %scan3A_44 to %scan3A_46 step %scan3A_47 iter_args(%scan3A_66 = %scan3A) -> (i32)  : i32 {
      %mul3A_67 = arith.constant 2 : i32
      %mul3A_68 = arith.muli %scan3A_65, %mul3A_67 : i32
      %add3A_69 = arith.constant 0 : i32
      %add3A_70 = arith.addi %mul3A_68, %add3A_69 : i32
      %dma_wait3A = arith.constant 0 : i32
      %dma_wait3A_71 = arith.constant 0 : i32
      %dma_wait3A_72 = arith.constant 0 : i32
      %dma_wait3A_73 = tpu.memref_slice %arg2[%add3A, %dma_wait3A, %dma_wait3A_71, %dma_wait3A_72] : memref<32x3x512x512xf32, #tpu.memory_space<hbm>> -> memref<1x1x32x512xf32, #tpu.memory_space<hbm>>
      %dma_wait3A_74 = tpu.memref_squeeze %dma_wait3A_73 : memref<1x1x32x512xf32, #tpu.memory_space<hbm>> -> memref<32x512xf32, #tpu.memory_space<hbm>>
      %dma_wait3A_75 = arith.constant 0 : i32
      %dma_wait3A_76 = arith.constant 0 : i32
      %dma_wait3A_77 = tpu.memref_slice %arg2[%add3A, %dma_wait3A, %dma_wait3A_75, %dma_wait3A_76] : memref<32x3x512x512xf32, #tpu.memory_space<hbm>> -> memref<1x1x32x512xf32, #tpu.memory_space<hbm>>
      %dma_wait3A_78 = tpu.memref_squeeze %dma_wait3A_77 : memref<1x1x32x512xf32, #tpu.memory_space<hbm>> -> memref<32x512xf32, #tpu.memory_space<hbm>>
      tpu.wait_dma2 semaphore(%arg11 : memref<!tpu.dma_semaphore, #tpu.memory_space<semaphore_mem>>) src(%dma_wait3A_78 : memref<32x512xf32, #tpu.memory_space<hbm>>) dst(%arg5 : memref<32x512xf32, #tpu.memory_space<vmem>>)
      %jit3A = arith.constant 16 : i32
      %div3A = arith.divsi %add3A_70, %jit3A : i32
      %sign3A = arith.constant 0 : i32
      %sign3A_79 = arith.cmpi sgt, %add3A_70, %sign3A : i32
      %sign3A_80 = arith.extui %sign3A_79 : i1 to i32
      %sign3A_81 = arith.constant 0 : i32
      %sign3A_82 = arith.cmpi slt, %add3A_70, %sign3A_81 : i32
      %sign3A_83 = arith.extui %sign3A_82 : i1 to i32
      %sign3A_84 = arith.subi %sign3A_80, %sign3A_83 : i32
      %sign3A_85 = arith.constant 0 : i32
      %sign3A_86 = arith.cmpi sgt, %jit3A, %sign3A_85 : i32
      %sign3A_87 = arith.extui %sign3A_86 : i1 to i32
      %sign3A_88 = arith.constant 0 : i32
      %sign3A_89 = arith.cmpi slt, %jit3A, %sign3A_88 : i32
      %sign3A_90 = arith.extui %sign3A_89 : i1 to i32
      %sign3A_91 = arith.subi %sign3A_87, %sign3A_90 : i32
      %ne3A = arith.cmpi ne, %sign3A_84, %sign3A_91 : i32
      %rem3A = arith.remsi %add3A_70, %jit3A : i32
      %ne3A_92 = arith.constant 0 : i32
      %ne3A_93 = arith.cmpi ne, %rem3A, %ne3A_92 : i32
      %and3A = arith.andi %ne3A, %ne3A_93 : i1
      %sub3A = arith.constant 1 : i32
      %sub3A_94 = arith.subi %div3A, %sub3A : i32
      %select_n3A = arith.select %and3A, %sub3A_94, %div3A : i32
      %add3A_95 = arith.constant 0 : i32
      %add3A_96 = arith.addi %add3A_95, %select_n3A : i32
      %mul3A_97 = arith.constant 4096 : i32
      %mul3A_98 = arith.muli %add3A_96, %mul3A_97 : i32
      %add3A_99 = vector.broadcast %mul3A_98 : i32 to vector<16xi32>
      %add3A_100 = arith.addi %mul3A_3, %add3A_99 : vector<16xi32>
      %sub3A_101 = arith.constant 32512 : i32
      %sub3A_102 = vector.broadcast %sub3A_101 : i32 to vector<16xi32>
      %sub3A_103 = arith.subi %add3A_100, %sub3A_102 : vector<16xi32>
      %parallel_loop3A_104 = arith.constant 0 : i32
      %parallel_loop3A_105 = arith.constant 1024 : i32
      %parallel_loop3A_106 = arith.constant 1 : i32
      scf.for %parallel_loop3A_168 = %parallel_loop3A_104 to %parallel_loop3A_105 step %parallel_loop3A_106  : i32 {
        %parallel_loop3A_169 = arith.constant 32 : i32
        %parallel_loop3A_170 = arith.divsi %parallel_loop3A_168, %parallel_loop3A_169 : i32
        %parallel_loop3A_171 = arith.constant 0 : i32
        %parallel_loop3A_172 = arith.cmpi sgt, %parallel_loop3A_168, %parallel_loop3A_171 : i32
        %parallel_loop3A_173 = arith.extui %parallel_loop3A_172 : i1 to i32
        %parallel_loop3A_174 = arith.constant 0 : i32
        %parallel_loop3A_175 = arith.cmpi slt, %parallel_loop3A_168, %parallel_loop3A_174 : i32
        %parallel_loop3A_176 = arith.extui %parallel_loop3A_175 : i1 to i32
        %parallel_loop3A_177 = arith.subi %parallel_loop3A_173, %parallel_loop3A_176 : i32
        %parallel_loop3A_178 = arith.constant 0 : i32
        %parallel_loop3A_179 = arith.cmpi sgt, %parallel_loop3A_169, %parallel_loop3A_178 : i32
        %parallel_loop3A_180 = arith.extui %parallel_loop3A_179 : i1 to i32
        %parallel_loop3A_181 = arith.constant 0 : i32
        %parallel_loop3A_182 = arith.cmpi slt, %parallel_loop3A_169, %parallel_loop3A_181 : i32
        %parallel_loop3A_183 = arith.extui %parallel_loop3A_182 : i1 to i32
        %parallel_loop3A_184 = arith.subi %parallel_loop3A_180, %parallel_loop3A_183 : i32
        %parallel_loop3A_185 = arith.cmpi ne, %parallel_loop3A_177, %parallel_loop3A_184 : i32
        %parallel_loop3A_186 = arith.remsi %parallel_loop3A_168, %parallel_loop3A_169 : i32
        %parallel_loop3A_187 = arith.constant 0 : i32
        %parallel_loop3A_188 = arith.cmpi ne, %parallel_loop3A_186, %parallel_loop3A_187 : i32
        %parallel_loop3A_189 = arith.andi %parallel_loop3A_185, %parallel_loop3A_188 : i1
        %parallel_loop3A_190 = arith.constant 1 : i32
        %parallel_loop3A_191 = arith.subi %parallel_loop3A_170, %parallel_loop3A_190 : i32
        %parallel_loop3A_192 = arith.select %parallel_loop3A_189, %parallel_loop3A_191, %parallel_loop3A_170 : i32
        %parallel_loop3A_193 = arith.constant 32 : i32
        %parallel_loop3A_194 = arith.constant 0 : i32
        %parallel_loop3A_195 = arith.cmpi eq, %parallel_loop3A_193, %parallel_loop3A_194 : i32
        %parallel_loop3A_196 = arith.constant 1 : i32
        %parallel_loop3A_197 = arith.select %parallel_loop3A_195, %parallel_loop3A_196, %parallel_loop3A_193 : i32
        %parallel_loop3A_198 = arith.remsi %parallel_loop3A_168, %parallel_loop3A_197 : i32
        %parallel_loop3A_199 = arith.constant 0 : i32
        %parallel_loop3A_200 = arith.cmpi ne, %parallel_loop3A_198, %parallel_loop3A_199 : i32
        %parallel_loop3A_201 = arith.constant 0 : i32
        %parallel_loop3A_202 = arith.cmpi slt, %parallel_loop3A_198, %parallel_loop3A_201 : i32
        %parallel_loop3A_203 = arith.constant 0 : i32
        %parallel_loop3A_204 = arith.cmpi slt, %parallel_loop3A_197, %parallel_loop3A_203 : i32
        %parallel_loop3A_205 = arith.xori %parallel_loop3A_202, %parallel_loop3A_204 : i1
        %parallel_loop3A_206 = arith.andi %parallel_loop3A_205, %parallel_loop3A_200 : i1
        %parallel_loop3A_207 = arith.addi %parallel_loop3A_198, %parallel_loop3A_197 : i32
        %parallel_loop3A_208 = arith.select %parallel_loop3A_206, %parallel_loop3A_207, %parallel_loop3A_198 : i32
        %parallel_loop3A_209 = arith.constant 16 : i32
        %parallel_loop3A_210 = arith.muli %parallel_loop3A_208, %parallel_loop3A_209 : i32
        %parallel_loop3A_211 = arith.index_cast %parallel_loop3A_192 : i32 to index
        %parallel_loop3A_212 = arith.index_cast %parallel_loop3A_210 : i32 to index
        %parallel_loop3A_213 = tpu.vector_load %arg5[%parallel_loop3A_211, %parallel_loop3A_212] {strides = array<i32>} : memref<32x512xf32, #tpu.memory_space<vmem>>, vector<16xf32>,
        %parallel_loop3A_214 = arith.constant 1.000000e+00 : f32
        %parallel_loop3A_215 = vector.broadcast %parallel_loop3A_214 : f32 to vector<16xf32>
        %parallel_loop3A_216 = arith.addf %parallel_loop3A_213, %parallel_loop3A_215 : vector<16xf32>
        %parallel_loop3A_217 = vector.bitcast %parallel_loop3A_216 : vector<16xf32> to vector<16xi32>
        %parallel_loop3A_218 = arith.constant 15 : i32
        %parallel_loop3A_219 = vector.broadcast %parallel_loop3A_218 : i32 to vector<16xi32>
        %parallel_loop3A_220 = arith.shrsi %parallel_loop3A_217, %parallel_loop3A_219 : vector<16xi32>
        %parallel_loop3A_221 = arith.addi %parallel_loop3A_220, %sub3A_103 : vector<16xi32>
        tpu.vector_store_idx %arg9[%parallel_loop3A_221], %broadcast_in_dim3A_4 {add = true} : memref<24576xf32, #tpu.memory_space<vmem>>[vector<16xi32>], vector<16xf32>,
      } {sc.loop_unroll_factor = 8 : i64, sc.parallel_access}
      %add3A_107 = arith.constant 2 : i32
      %add3A_108 = arith.addi %add3A_70, %add3A_107 : i32
      %lt3A = arith.constant 48 : i32
      %lt3A_109 = arith.cmpi slt, %add3A_108, %lt3A : i32
      %convert_element_type3A = arith.extui %lt3A_109 : i1 to i32
      %cond3A = arith.constant 0 : i32
      %cond3A_110 = arith.cmpi ne, %convert_element_type3A, %cond3A : i32
      scf.if %cond3A_110 {
        %add3A_168 = arith.constant 2 : i32
        %add3A_169 = arith.addi %add3A_70, %add3A_168 : i32
        %jit3A_170 = arith.constant 16 : i32
        %div3A_171 = arith.divsi %add3A_169, %jit3A_170 : i32
        %sign3A_172 = arith.constant 0 : i32
        %sign3A_173 = arith.cmpi sgt, %add3A_169, %sign3A_172 : i32
        %sign3A_174 = arith.extui %sign3A_173 : i1 to i32
        %sign3A_175 = arith.constant 0 : i32
        %sign3A_176 = arith.cmpi slt, %add3A_169, %sign3A_175 : i32
        %sign3A_177 = arith.extui %sign3A_176 : i1 to i32
        %sign3A_178 = arith.subi %sign3A_174, %sign3A_177 : i32
        %sign3A_179 = arith.constant 0 : i32
        %sign3A_180 = arith.cmpi sgt, %jit3A_170, %sign3A_179 : i32
        %sign3A_181 = arith.extui %sign3A_180 : i1 to i32
        %sign3A_182 = arith.constant 0 : i32
        %sign3A_183 = arith.cmpi slt, %jit3A_170, %sign3A_182 : i32
        %sign3A_184 = arith.extui %sign3A_183 : i1 to i32
        %sign3A_185 = arith.subi %sign3A_181, %sign3A_184 : i32
        %ne3A_186 = arith.cmpi ne, %sign3A_178, %sign3A_185 : i32
        %rem3A_187 = arith.remsi %add3A_169, %jit3A_170 : i32
        %ne3A_188 = arith.constant 0 : i32
        %ne3A_189 = arith.cmpi ne, %rem3A_187, %ne3A_188 : i32
        %and3A_190 = arith.andi %ne3A_186, %ne3A_189 : i1
        %sub3A_191 = arith.constant 1 : i32
        %sub3A_192 = arith.subi %div3A_171, %sub3A_191 : i32
        %select_n3A_193 = arith.select %and3A_190, %sub3A_192, %div3A_171 : i32
        %jit3A_194 = arith.constant 16 : i32
        %eq3A = arith.constant 0 : i32
        %eq3A_195 = arith.cmpi eq, %jit3A_194, %eq3A : i32
        %jit3A_196 = arith.constant 1 : i32
        %select_n3A_197 = arith.select %eq3A_195, %jit3A_196, %jit3A_194 : i32
        %rem3A_198 = arith.remsi %add3A_169, %select_n3A_197 : i32
        %ne3A_199 = arith.constant 0 : i32
        %ne3A_200 = arith.cmpi ne, %rem3A_198, %ne3A_199 : i32
        %lt3A_201 = arith.constant 0 : i32
        %lt3A_202 = arith.cmpi slt, %rem3A_198, %lt3A_201 : i32
        %lt3A_203 = arith.constant 0 : i32
        %lt3A_204 = arith.cmpi slt, %select_n3A_197, %lt3A_203 : i32
        %ne3A_205 = arith.xori %lt3A_202, %lt3A_204 : i1
        %and3A_206 = arith.andi %ne3A_205, %ne3A_200 : i1
        %add3A_207 = arith.addi %rem3A_198, %select_n3A_197 : i32
        %select_n3A_208 = arith.select %and3A_206, %add3A_207, %rem3A_198 : i32
        %mul3A_209 = arith.constant 32 : i32
        %mul3A_210 = arith.muli %select_n3A_208, %mul3A_209 : i32
        %dma_start3A_211 = arith.constant 0 : i32
        %dma_start3A_212 = tpu.memref_slice %arg2[%add3A, %select_n3A_193, %mul3A_210, %dma_start3A_211] : memref<32x3x512x512xf32, #tpu.memory_space<hbm>> -> memref<1x1x32x512xf32, #tpu.memory_space<hbm>>
        %dma_start3A_213 = tpu.memref_squeeze %dma_start3A_212 : memref<1x1x32x512xf32, #tpu.memory_space<hbm>> -> memref<32x512xf32, #tpu.memory_space<hbm>>
        %dma_start3A_214 = arith.constant 0 : i32
        %dma_start3A_215 = tpu.memref_slice %arg2[%add3A, %select_n3A_193, %mul3A_210, %dma_start3A_214] : memref<32x3x512x512xf32, #tpu.memory_space<hbm>> -> memref<1x1x32x512xf32, #tpu.memory_space<hbm>>
        %dma_start3A_216 = tpu.memref_squeeze %dma_start3A_215 : memref<1x1x32x512xf32, #tpu.memory_space<hbm>> -> memref<32x512xf32, #tpu.memory_space<hbm>>
        tpu.enqueue_dma source(%dma_start3A_216 : memref<32x512xf32, #tpu.memory_space<hbm>>) target(%arg5 : memref<32x512xf32, #tpu.memory_space<vmem>>) target_semaphore(%arg11 : memref<!tpu.dma_semaphore, #tpu.memory_space<semaphore_mem>>)
      } else {
      }
      %mul3A_111 = arith.constant 2 : i32
      %mul3A_112 = arith.muli %scan3A_65, %mul3A_111 : i32
      %add3A_113 = arith.constant 1 : i32
      %add3A_114 = arith.addi %mul3A_112, %add3A_113 : i32
      %dma_wait3A_115 = arith.constant 0 : i32
      %dma_wait3A_116 = arith.constant 0 : i32
      %dma_wait3A_117 = arith.constant 0 : i32
      %dma_wait3A_118 = tpu.memref_slice %arg2[%add3A, %dma_wait3A_115, %dma_wait3A_116, %dma_wait3A_117] : memref<32x3x512x512xf32, #tpu.memory_space<hbm>> -> memref<1x1x32x512xf32, #tpu.memory_space<hbm>>
      %dma_wait3A_119 = tpu.memref_squeeze %dma_wait3A_118 : memref<1x1x32x512xf32, #tpu.memory_space<hbm>> -> memref<32x512xf32, #tpu.memory_space<hbm>>
      %dma_wait3A_120 = arith.constant 0 : i32
      %dma_wait3A_121 = arith.constant 0 : i32
      %dma_wait3A_122 = tpu.memref_slice %arg2[%add3A, %dma_wait3A_115, %dma_wait3A_120, %dma_wait3A_121] : memref<32x3x512x512xf32, #tpu.memory_space<hbm>> -> memref<1x1x32x512xf32, #tpu.memory_space<hbm>>
      %dma_wait3A_123 = tpu.memref_squeeze %dma_wait3A_122 : memref<1x1x32x512xf32, #tpu.memory_space<hbm>> -> memref<32x512xf32, #tpu.memory_space<hbm>>
      tpu.wait_dma2 semaphore(%arg12 : memref<!tpu.dma_semaphore, #tpu.memory_space<semaphore_mem>>) src(%dma_wait3A_123 : memref<32x512xf32, #tpu.memory_space<hbm>>) dst(%arg6 : memref<32x512xf32, #tpu.memory_space<vmem>>)
      %jit3A_124 = arith.constant 16 : i32
      %div3A_125 = arith.divsi %add3A_114, %jit3A_124 : i32
      %sign3A_126 = arith.constant 0 : i32
      %sign3A_127 = arith.cmpi sgt, %add3A_114, %sign3A_126 : i32
      %sign3A_128 = arith.extui %sign3A_127 : i1 to i32
      %sign3A_129 = arith.constant 0 : i32
      %sign3A_130 = arith.cmpi slt, %add3A_114, %sign3A_129 : i32
      %sign3A_131 = arith.extui %sign3A_130 : i1 to i32
      %sign3A_132 = arith.subi %sign3A_128, %sign3A_131 : i32
      %sign3A_133 = arith.constant 0 : i32
      %sign3A_134 = arith.cmpi sgt, %jit3A_124, %sign3A_133 : i32
      %sign3A_135 = arith.extui %sign3A_134 : i1 to i32
      %sign3A_136 = arith.constant 0 : i32
      %sign3A_137 = arith.cmpi slt, %jit3A_124, %sign3A_136 : i32
      %sign3A_138 = arith.extui %sign3A_137 : i1 to i32
      %sign3A_139 = arith.subi %sign3A_135, %sign3A_138 : i32
      %ne3A_140 = arith.cmpi ne, %sign3A_132, %sign3A_139 : i32
      %rem3A_141 = arith.remsi %add3A_114, %jit3A_124 : i32
      %ne3A_142 = arith.constant 0 : i32
      %ne3A_143 = arith.cmpi ne, %rem3A_141, %ne3A_142 : i32
      %and3A_144 = arith.andi %ne3A_140, %ne3A_143 : i1
      %sub3A_145 = arith.constant 1 : i32
      %sub3A_146 = arith.subi %div3A_125, %sub3A_145 : i32
      %select_n3A_147 = arith.select %and3A_144, %sub3A_146, %div3A_125 : i32
      %add3A_148 = arith.constant 0 : i32
      %add3A_149 = arith.addi %add3A_148, %select_n3A_147 : i32
      %mul3A_150 = arith.constant 4096 : i32
      %mul3A_151 = arith.muli %add3A_149, %mul3A_150 : i32
      %add3A_152 = vector.broadcast %mul3A_151 : i32 to vector<16xi32>
      %add3A_153 = arith.addi %mul3A_3, %add3A_152 : vector<16xi32>
      %sub3A_154 = arith.constant 32512 : i32
      %sub3A_155 = vector.broadcast %sub3A_154 : i32 to vector<16xi32>
      %sub3A_156 = arith.subi %add3A_153, %sub3A_155 : vector<16xi32>
      %parallel_loop3A_157 = arith.constant 0 : i32
      %parallel_loop3A_158 = arith.constant 1024 : i32
      %parallel_loop3A_159 = arith.constant 1 : i32
      scf.for %parallel_loop3A_168 = %parallel_loop3A_157 to %parallel_loop3A_158 step %parallel_loop3A_159  : i32 {
        %parallel_loop3A_169 = arith.constant 32 : i32
        %parallel_loop3A_170 = arith.divsi %parallel_loop3A_168, %parallel_loop3A_169 : i32
        %parallel_loop3A_171 = arith.constant 0 : i32
        %parallel_loop3A_172 = arith.cmpi sgt, %parallel_loop3A_168, %parallel_loop3A_171 : i32
        %parallel_loop3A_173 = arith.extui %parallel_loop3A_172 : i1 to i32
        %parallel_loop3A_174 = arith.constant 0 : i32
        %parallel_loop3A_175 = arith.cmpi slt, %parallel_loop3A_168, %parallel_loop3A_174 : i32
        %parallel_loop3A_176 = arith.extui %parallel_loop3A_175 : i1 to i32
        %parallel_loop3A_177 = arith.subi %parallel_loop3A_173, %parallel_loop3A_176 : i32
        %parallel_loop3A_178 = arith.constant 0 : i32
        %parallel_loop3A_179 = arith.cmpi sgt, %parallel_loop3A_169, %parallel_loop3A_178 : i32
        %parallel_loop3A_180 = arith.extui %parallel_loop3A_179 : i1 to i32
        %parallel_loop3A_181 = arith.constant 0 : i32
        %parallel_loop3A_182 = arith.cmpi slt, %parallel_loop3A_169, %parallel_loop3A_181 : i32
        %parallel_loop3A_183 = arith.extui %parallel_loop3A_182 : i1 to i32
        %parallel_loop3A_184 = arith.subi %parallel_loop3A_180, %parallel_loop3A_183 : i32
        %parallel_loop3A_185 = arith.cmpi ne, %parallel_loop3A_177, %parallel_loop3A_184 : i32
        %parallel_loop3A_186 = arith.remsi %parallel_loop3A_168, %parallel_loop3A_169 : i32
        %parallel_loop3A_187 = arith.constant 0 : i32
        %parallel_loop3A_188 = arith.cmpi ne, %parallel_loop3A_186, %parallel_loop3A_187 : i32
        %parallel_loop3A_189 = arith.andi %parallel_loop3A_185, %parallel_loop3A_188 : i1
        %parallel_loop3A_190 = arith.constant 1 : i32
        %parallel_loop3A_191 = arith.subi %parallel_loop3A_170, %parallel_loop3A_190 : i32
        %parallel_loop3A_192 = arith.select %parallel_loop3A_189, %parallel_loop3A_191, %parallel_loop3A_170 : i32
        %parallel_loop3A_193 = arith.constant 32 : i32
        %parallel_loop3A_194 = arith.constant 0 : i32
        %parallel_loop3A_195 = arith.cmpi eq, %parallel_loop3A_193, %parallel_loop3A_194 : i32
        %parallel_loop3A_196 = arith.constant 1 : i32
        %parallel_loop3A_197 = arith.select %parallel_loop3A_195, %parallel_loop3A_196, %parallel_loop3A_193 : i32
        %parallel_loop3A_198 = arith.remsi %parallel_loop3A_168, %parallel_loop3A_197 : i32
        %parallel_loop3A_199 = arith.constant 0 : i32
        %parallel_loop3A_200 = arith.cmpi ne, %parallel_loop3A_198, %parallel_loop3A_199 : i32
        %parallel_loop3A_201 = arith.constant 0 : i32
        %parallel_loop3A_202 = arith.cmpi slt, %parallel_loop3A_198, %parallel_loop3A_201 : i32
        %parallel_loop3A_203 = arith.constant 0 : i32
        %parallel_loop3A_204 = arith.cmpi slt, %parallel_loop3A_197, %parallel_loop3A_203 : i32
        %parallel_loop3A_205 = arith.xori %parallel_loop3A_202, %parallel_loop3A_204 : i1
        %parallel_loop3A_206 = arith.andi %parallel_loop3A_205, %parallel_loop3A_200 : i1
        %parallel_loop3A_207 = arith.addi %parallel_loop3A_198, %parallel_loop3A_197 : i32
        %parallel_loop3A_208 = arith.select %parallel_loop3A_206, %parallel_loop3A_207, %parallel_loop3A_198 : i32
        %parallel_loop3A_209 = arith.constant 16 : i32
        %parallel_loop3A_210 = arith.muli %parallel_loop3A_208, %parallel_loop3A_209 : i32
        %parallel_loop3A_211 = arith.index_cast %parallel_loop3A_192 : i32 to index
        %parallel_loop3A_212 = arith.index_cast %parallel_loop3A_210 : i32 to index
        %parallel_loop3A_213 = tpu.vector_load %arg6[%parallel_loop3A_211, %parallel_loop3A_212] {strides = array<i32>} : memref<32x512xf32, #tpu.memory_space<vmem>>, vector<16xf32>,
        %parallel_loop3A_214 = arith.constant 1.000000e+00 : f32
        %parallel_loop3A_215 = vector.broadcast %parallel_loop3A_214 : f32 to vector<16xf32>
        %parallel_loop3A_216 = arith.addf %parallel_loop3A_213, %parallel_loop3A_215 : vector<16xf32>
        %parallel_loop3A_217 = vector.bitcast %parallel_loop3A_216 : vector<16xf32> to vector<16xi32>
        %parallel_loop3A_218 = arith.constant 15 : i32
        %parallel_loop3A_219 = vector.broadcast %parallel_loop3A_218 : i32 to vector<16xi32>
        %parallel_loop3A_220 = arith.shrsi %parallel_loop3A_217, %parallel_loop3A_219 : vector<16xi32>
        %parallel_loop3A_221 = arith.addi %parallel_loop3A_220, %sub3A_156 : vector<16xi32>
        tpu.vector_store_idx %arg9[%parallel_loop3A_221], %broadcast_in_dim3A_4 {add = true} : memref<24576xf32, #tpu.memory_space<vmem>>[vector<16xi32>], vector<16xf32>,
      } {sc.loop_unroll_factor = 8 : i64, sc.parallel_access}
      %add3A_160 = arith.constant 2 : i32
      %add3A_161 = arith.addi %add3A_114, %add3A_160 : i32
      %lt3A_162 = arith.constant 48 : i32
      %lt3A_163 = arith.cmpi slt, %add3A_161, %lt3A_162 : i32
      %convert_element_type3A_164 = arith.extui %lt3A_163 : i1 to i32
      %cond3A_165 = arith.constant 0 : i32
      %cond3A_166 = arith.cmpi ne, %convert_element_type3A_164, %cond3A_165 : i32
      scf.if %cond3A_166 {
        %add3A_168 = arith.constant 2 : i32
        %add3A_169 = arith.addi %add3A_114, %add3A_168 : i32
        %jit3A_170 = arith.constant 16 : i32
        %div3A_171 = arith.divsi %add3A_169, %jit3A_170 : i32
        %sign3A_172 = arith.constant 0 : i32
        %sign3A_173 = arith.cmpi sgt, %add3A_169, %sign3A_172 : i32
        %sign3A_174 = arith.extui %sign3A_173 : i1 to i32
        %sign3A_175 = arith.constant 0 : i32
        %sign3A_176 = arith.cmpi slt, %add3A_169, %sign3A_175 : i32
        %sign3A_177 = arith.extui %sign3A_176 : i1 to i32
        %sign3A_178 = arith.subi %sign3A_174, %sign3A_177 : i32
        %sign3A_179 = arith.constant 0 : i32
        %sign3A_180 = arith.cmpi sgt, %jit3A_170, %sign3A_179 : i32
        %sign3A_181 = arith.extui %sign3A_180 : i1 to i32
        %sign3A_182 = arith.constant 0 : i32
        %sign3A_183 = arith.cmpi slt, %jit3A_170, %sign3A_182 : i32
        %sign3A_184 = arith.extui %sign3A_183 : i1 to i32
        %sign3A_185 = arith.subi %sign3A_181, %sign3A_184 : i32
        %ne3A_186 = arith.cmpi ne, %sign3A_178, %sign3A_185 : i32
        %rem3A_187 = arith.remsi %add3A_169, %jit3A_170 : i32
        %ne3A_188 = arith.constant 0 : i32
        %ne3A_189 = arith.cmpi ne, %rem3A_187, %ne3A_188 : i32
        %and3A_190 = arith.andi %ne3A_186, %ne3A_189 : i1
        %sub3A_191 = arith.constant 1 : i32
        %sub3A_192 = arith.subi %div3A_171, %sub3A_191 : i32
        %select_n3A_193 = arith.select %and3A_190, %sub3A_192, %div3A_171 : i32
        %jit3A_194 = arith.constant 16 : i32
        %eq3A = arith.constant 0 : i32
        %eq3A_195 = arith.cmpi eq, %jit3A_194, %eq3A : i32
        %jit3A_196 = arith.constant 1 : i32
        %select_n3A_197 = arith.select %eq3A_195, %jit3A_196, %jit3A_194 : i32
        %rem3A_198 = arith.remsi %add3A_169, %select_n3A_197 : i32
        %ne3A_199 = arith.constant 0 : i32
        %ne3A_200 = arith.cmpi ne, %rem3A_198, %ne3A_199 : i32
        %lt3A_201 = arith.constant 0 : i32
        %lt3A_202 = arith.cmpi slt, %rem3A_198, %lt3A_201 : i32
        %lt3A_203 = arith.constant 0 : i32
        %lt3A_204 = arith.cmpi slt, %select_n3A_197, %lt3A_203 : i32
        %ne3A_205 = arith.xori %lt3A_202, %lt3A_204 : i1
        %and3A_206 = arith.andi %ne3A_205, %ne3A_200 : i1
        %add3A_207 = arith.addi %rem3A_198, %select_n3A_197 : i32
        %select_n3A_208 = arith.select %and3A_206, %add3A_207, %rem3A_198 : i32
        %mul3A_209 = arith.constant 32 : i32
        %mul3A_210 = arith.muli %select_n3A_208, %mul3A_209 : i32
        %dma_start3A_211 = arith.constant 0 : i32
        %dma_start3A_212 = tpu.memref_slice %arg2[%add3A, %select_n3A_193, %mul3A_210, %dma_start3A_211] : memref<32x3x512x512xf32, #tpu.memory_space<hbm>> -> memref<1x1x32x512xf32, #tpu.memory_space<hbm>>
        %dma_start3A_213 = tpu.memref_squeeze %dma_start3A_212 : memref<1x1x32x512xf32, #tpu.memory_space<hbm>> -> memref<32x512xf32, #tpu.memory_space<hbm>>
        %dma_start3A_214 = arith.constant 0 : i32
        %dma_start3A_215 = tpu.memref_slice %arg2[%add3A, %select_n3A_193, %mul3A_210, %dma_start3A_214] : memref<32x3x512x512xf32, #tpu.memory_space<hbm>> -> memref<1x1x32x512xf32, #tpu.memory_space<hbm>>
        %dma_start3A_216 = tpu.memref_squeeze %dma_start3A_215 : memref<1x1x32x512xf32, #tpu.memory_space<hbm>> -> memref<32x512xf32, #tpu.memory_space<hbm>>
        tpu.enqueue_dma source(%dma_start3A_216 : memref<32x512xf32, #tpu.memory_space<hbm>>) target(%arg6 : memref<32x512xf32, #tpu.memory_space<vmem>>) target_semaphore(%arg12 : memref<!tpu.dma_semaphore, #tpu.memory_space<semaphore_mem>>)
      } else {
      }
      %scan3A_167 = arith.constant 0 : i32
      scf.yield %scan3A_167 : i32
    }
    %scan3A_49 = arith.constant 24 : i32
    %scan3A_50 = arith.constant 0 : i32
    %scan3A_51 = arith.constant 0 : i32
    %scan3A_52 = arith.constant 24 : i32
    %scan3A_53 = arith.addi %scan3A_51, %scan3A_52 : i32
    %scan3A_54 = arith.constant 1 : i32
    %scan3A_55 = scf.for %scan3A_65 = %scan3A_51 to %scan3A_53 step %scan3A_54 iter_args(%scan3A_66 = %scan3A_50) -> (i32)  : i32 {
      %mul3A_67 = arith.constant 2 : i32
      %mul3A_68 = arith.muli %scan3A_65, %mul3A_67 : i32
      %add3A_69 = arith.constant 0 : i32
      %add3A_70 = arith.addi %mul3A_68, %add3A_69 : i32
      %dma_wait3A = arith.constant 0 : i32
      %dma_wait3A_71 = arith.constant 0 : i32
      %dma_wait3A_72 = arith.constant 0 : i32
      %dma_wait3A_73 = tpu.memref_slice %arg3[%add3A, %dma_wait3A, %dma_wait3A_71, %dma_wait3A_72] : memref<32x3x512x512xf32, #tpu.memory_space<hbm>> -> memref<1x1x32x512xf32, #tpu.memory_space<hbm>>
      %dma_wait3A_74 = tpu.memref_squeeze %dma_wait3A_73 : memref<1x1x32x512xf32, #tpu.memory_space<hbm>> -> memref<32x512xf32, #tpu.memory_space<hbm>>
      %dma_wait3A_75 = arith.constant 0 : i32
      %dma_wait3A_76 = arith.constant 0 : i32
      %dma_wait3A_77 = tpu.memref_slice %arg3[%add3A, %dma_wait3A, %dma_wait3A_75, %dma_wait3A_76] : memref<32x3x512x512xf32, #tpu.memory_space<hbm>> -> memref<1x1x32x512xf32, #tpu.memory_space<hbm>>
      %dma_wait3A_78 = tpu.memref_squeeze %dma_wait3A_77 : memref<1x1x32x512xf32, #tpu.memory_space<hbm>> -> memref<32x512xf32, #tpu.memory_space<hbm>>
      tpu.wait_dma2 semaphore(%arg13 : memref<!tpu.dma_semaphore, #tpu.memory_space<semaphore_mem>>) src(%dma_wait3A_78 : memref<32x512xf32, #tpu.memory_space<hbm>>) dst(%arg7 : memref<32x512xf32, #tpu.memory_space<vmem>>)
      %jit3A = arith.constant 16 : i32
      %div3A = arith.divsi %add3A_70, %jit3A : i32
      %sign3A = arith.constant 0 : i32
      %sign3A_79 = arith.cmpi sgt, %add3A_70, %sign3A : i32
      %sign3A_80 = arith.extui %sign3A_79 : i1 to i32
      %sign3A_81 = arith.constant 0 : i32
      %sign3A_82 = arith.cmpi slt, %add3A_70, %sign3A_81 : i32
      %sign3A_83 = arith.extui %sign3A_82 : i1 to i32
      %sign3A_84 = arith.subi %sign3A_80, %sign3A_83 : i32
      %sign3A_85 = arith.constant 0 : i32
      %sign3A_86 = arith.cmpi sgt, %jit3A, %sign3A_85 : i32
      %sign3A_87 = arith.extui %sign3A_86 : i1 to i32
      %sign3A_88 = arith.constant 0 : i32
      %sign3A_89 = arith.cmpi slt, %jit3A, %sign3A_88 : i32
      %sign3A_90 = arith.extui %sign3A_89 : i1 to i32
      %sign3A_91 = arith.subi %sign3A_87, %sign3A_90 : i32
      %ne3A = arith.cmpi ne, %sign3A_84, %sign3A_91 : i32
      %rem3A = arith.remsi %add3A_70, %jit3A : i32
      %ne3A_92 = arith.constant 0 : i32
      %ne3A_93 = arith.cmpi ne, %rem3A, %ne3A_92 : i32
      %and3A = arith.andi %ne3A, %ne3A_93 : i1
      %sub3A = arith.constant 1 : i32
      %sub3A_94 = arith.subi %div3A, %sub3A : i32
      %select_n3A = arith.select %and3A, %sub3A_94, %div3A : i32
      %add3A_95 = arith.constant 3 : i32
      %add3A_96 = arith.addi %add3A_95, %select_n3A : i32
      %mul3A_97 = arith.constant 4096 : i32
      %mul3A_98 = arith.muli %add3A_96, %mul3A_97 : i32
      %add3A_99 = vector.broadcast %mul3A_98 : i32 to vector<16xi32>
      %add3A_100 = arith.addi %mul3A_3, %add3A_99 : vector<16xi32>
      %sub3A_101 = arith.constant 32512 : i32
      %sub3A_102 = vector.broadcast %sub3A_101 : i32 to vector<16xi32>
      %sub3A_103 = arith.subi %add3A_100, %sub3A_102 : vector<16xi32>
      %parallel_loop3A_104 = arith.constant 0 : i32
      %parallel_loop3A_105 = arith.constant 1024 : i32
      %parallel_loop3A_106 = arith.constant 1 : i32
      scf.for %parallel_loop3A_168 = %parallel_loop3A_104 to %parallel_loop3A_105 step %parallel_loop3A_106  : i32 {
        %parallel_loop3A_169 = arith.constant 32 : i32
        %parallel_loop3A_170 = arith.divsi %parallel_loop3A_168, %parallel_loop3A_169 : i32
        %parallel_loop3A_171 = arith.constant 0 : i32
        %parallel_loop3A_172 = arith.cmpi sgt, %parallel_loop3A_168, %parallel_loop3A_171 : i32
        %parallel_loop3A_173 = arith.extui %parallel_loop3A_172 : i1 to i32
        %parallel_loop3A_174 = arith.constant 0 : i32
        %parallel_loop3A_175 = arith.cmpi slt, %parallel_loop3A_168, %parallel_loop3A_174 : i32
        %parallel_loop3A_176 = arith.extui %parallel_loop3A_175 : i1 to i32
        %parallel_loop3A_177 = arith.subi %parallel_loop3A_173, %parallel_loop3A_176 : i32
        %parallel_loop3A_178 = arith.constant 0 : i32
        %parallel_loop3A_179 = arith.cmpi sgt, %parallel_loop3A_169, %parallel_loop3A_178 : i32
        %parallel_loop3A_180 = arith.extui %parallel_loop3A_179 : i1 to i32
        %parallel_loop3A_181 = arith.constant 0 : i32
        %parallel_loop3A_182 = arith.cmpi slt, %parallel_loop3A_169, %parallel_loop3A_181 : i32
        %parallel_loop3A_183 = arith.extui %parallel_loop3A_182 : i1 to i32
        %parallel_loop3A_184 = arith.subi %parallel_loop3A_180, %parallel_loop3A_183 : i32
        %parallel_loop3A_185 = arith.cmpi ne, %parallel_loop3A_177, %parallel_loop3A_184 : i32
        %parallel_loop3A_186 = arith.remsi %parallel_loop3A_168, %parallel_loop3A_169 : i32
        %parallel_loop3A_187 = arith.constant 0 : i32
        %parallel_loop3A_188 = arith.cmpi ne, %parallel_loop3A_186, %parallel_loop3A_187 : i32
        %parallel_loop3A_189 = arith.andi %parallel_loop3A_185, %parallel_loop3A_188 : i1
        %parallel_loop3A_190 = arith.constant 1 : i32
        %parallel_loop3A_191 = arith.subi %parallel_loop3A_170, %parallel_loop3A_190 : i32
        %parallel_loop3A_192 = arith.select %parallel_loop3A_189, %parallel_loop3A_191, %parallel_loop3A_170 : i32
        %parallel_loop3A_193 = arith.constant 32 : i32
        %parallel_loop3A_194 = arith.constant 0 : i32
        %parallel_loop3A_195 = arith.cmpi eq, %parallel_loop3A_193, %parallel_loop3A_194 : i32
        %parallel_loop3A_196 = arith.constant 1 : i32
        %parallel_loop3A_197 = arith.select %parallel_loop3A_195, %parallel_loop3A_196, %parallel_loop3A_193 : i32
        %parallel_loop3A_198 = arith.remsi %parallel_loop3A_168, %parallel_loop3A_197 : i32
        %parallel_loop3A_199 = arith.constant 0 : i32
        %parallel_loop3A_200 = arith.cmpi ne, %parallel_loop3A_198, %parallel_loop3A_199 : i32
        %parallel_loop3A_201 = arith.constant 0 : i32
        %parallel_loop3A_202 = arith.cmpi slt, %parallel_loop3A_198, %parallel_loop3A_201 : i32
        %parallel_loop3A_203 = arith.constant 0 : i32
        %parallel_loop3A_204 = arith.cmpi slt, %parallel_loop3A_197, %parallel_loop3A_203 : i32
        %parallel_loop3A_205 = arith.xori %parallel_loop3A_202, %parallel_loop3A_204 : i1
        %parallel_loop3A_206 = arith.andi %parallel_loop3A_205, %parallel_loop3A_200 : i1
        %parallel_loop3A_207 = arith.addi %parallel_loop3A_198, %parallel_loop3A_197 : i32
        %parallel_loop3A_208 = arith.select %parallel_loop3A_206, %parallel_loop3A_207, %parallel_loop3A_198 : i32
        %parallel_loop3A_209 = arith.constant 16 : i32
        %parallel_loop3A_210 = arith.muli %parallel_loop3A_208, %parallel_loop3A_209 : i32
        %parallel_loop3A_211 = arith.index_cast %parallel_loop3A_192 : i32 to index
        %parallel_loop3A_212 = arith.index_cast %parallel_loop3A_210 : i32 to index
        %parallel_loop3A_213 = tpu.vector_load %arg7[%parallel_loop3A_211, %parallel_loop3A_212] {strides = array<i32>} : memref<32x512xf32, #tpu.memory_space<vmem>>, vector<16xf32>,
        %parallel_loop3A_214 = arith.constant 1.000000e+00 : f32
        %parallel_loop3A_215 = vector.broadcast %parallel_loop3A_214 : f32 to vector<16xf32>
        %parallel_loop3A_216 = arith.addf %parallel_loop3A_213, %parallel_loop3A_215 : vector<16xf32>
        %parallel_loop3A_217 = vector.bitcast %parallel_loop3A_216 : vector<16xf32> to vector<16xi32>
        %parallel_loop3A_218 = arith.constant 15 : i32
        %parallel_loop3A_219 = vector.broadcast %parallel_loop3A_218 : i32 to vector<16xi32>
        %parallel_loop3A_220 = arith.shrsi %parallel_loop3A_217, %parallel_loop3A_219 : vector<16xi32>
        %parallel_loop3A_221 = arith.addi %parallel_loop3A_220, %sub3A_103 : vector<16xi32>
        tpu.vector_store_idx %arg9[%parallel_loop3A_221], %broadcast_in_dim3A_4 {add = true} : memref<24576xf32, #tpu.memory_space<vmem>>[vector<16xi32>], vector<16xf32>,
      } {sc.loop_unroll_factor = 8 : i64, sc.parallel_access}
      %add3A_107 = arith.constant 2 : i32
      %add3A_108 = arith.addi %add3A_70, %add3A_107 : i32
      %lt3A = arith.constant 48 : i32
      %lt3A_109 = arith.cmpi slt, %add3A_108, %lt3A : i32
      %convert_element_type3A = arith.extui %lt3A_109 : i1 to i32
      %cond3A = arith.constant 0 : i32
      %cond3A_110 = arith.cmpi ne, %convert_element_type3A, %cond3A : i32
      scf.if %cond3A_110 {
        %add3A_168 = arith.constant 2 : i32
        %add3A_169 = arith.addi %add3A_70, %add3A_168 : i32
        %jit3A_170 = arith.constant 16 : i32
        %div3A_171 = arith.divsi %add3A_169, %jit3A_170 : i32
        %sign3A_172 = arith.constant 0 : i32
        %sign3A_173 = arith.cmpi sgt, %add3A_169, %sign3A_172 : i32
        %sign3A_174 = arith.extui %sign3A_173 : i1 to i32
        %sign3A_175 = arith.constant 0 : i32
        %sign3A_176 = arith.cmpi slt, %add3A_169, %sign3A_175 : i32
        %sign3A_177 = arith.extui %sign3A_176 : i1 to i32
        %sign3A_178 = arith.subi %sign3A_174, %sign3A_177 : i32
        %sign3A_179 = arith.constant 0 : i32
        %sign3A_180 = arith.cmpi sgt, %jit3A_170, %sign3A_179 : i32
        %sign3A_181 = arith.extui %sign3A_180 : i1 to i32
        %sign3A_182 = arith.constant 0 : i32
        %sign3A_183 = arith.cmpi slt, %jit3A_170, %sign3A_182 : i32
        %sign3A_184 = arith.extui %sign3A_183 : i1 to i32
        %sign3A_185 = arith.subi %sign3A_181, %sign3A_184 : i32
        %ne3A_186 = arith.cmpi ne, %sign3A_178, %sign3A_185 : i32
        %rem3A_187 = arith.remsi %add3A_169, %jit3A_170 : i32
        %ne3A_188 = arith.constant 0 : i32
        %ne3A_189 = arith.cmpi ne, %rem3A_187, %ne3A_188 : i32
        %and3A_190 = arith.andi %ne3A_186, %ne3A_189 : i1
        %sub3A_191 = arith.constant 1 : i32
        %sub3A_192 = arith.subi %div3A_171, %sub3A_191 : i32
        %select_n3A_193 = arith.select %and3A_190, %sub3A_192, %div3A_171 : i32
        %jit3A_194 = arith.constant 16 : i32
        %eq3A = arith.constant 0 : i32
        %eq3A_195 = arith.cmpi eq, %jit3A_194, %eq3A : i32
        %jit3A_196 = arith.constant 1 : i32
        %select_n3A_197 = arith.select %eq3A_195, %jit3A_196, %jit3A_194 : i32
        %rem3A_198 = arith.remsi %add3A_169, %select_n3A_197 : i32
        %ne3A_199 = arith.constant 0 : i32
        %ne3A_200 = arith.cmpi ne, %rem3A_198, %ne3A_199 : i32
        %lt3A_201 = arith.constant 0 : i32
        %lt3A_202 = arith.cmpi slt, %rem3A_198, %lt3A_201 : i32
        %lt3A_203 = arith.constant 0 : i32
        %lt3A_204 = arith.cmpi slt, %select_n3A_197, %lt3A_203 : i32
        %ne3A_205 = arith.xori %lt3A_202, %lt3A_204 : i1
        %and3A_206 = arith.andi %ne3A_205, %ne3A_200 : i1
        %add3A_207 = arith.addi %rem3A_198, %select_n3A_197 : i32
        %select_n3A_208 = arith.select %and3A_206, %add3A_207, %rem3A_198 : i32
        %mul3A_209 = arith.constant 32 : i32
        %mul3A_210 = arith.muli %select_n3A_208, %mul3A_209 : i32
        %dma_start3A_211 = arith.constant 0 : i32
        %dma_start3A_212 = tpu.memref_slice %arg3[%add3A, %select_n3A_193, %mul3A_210, %dma_start3A_211] : memref<32x3x512x512xf32, #tpu.memory_space<hbm>> -> memref<1x1x32x512xf32, #tpu.memory_space<hbm>>
        %dma_start3A_213 = tpu.memref_squeeze %dma_start3A_212 : memref<1x1x32x512xf32, #tpu.memory_space<hbm>> -> memref<32x512xf32, #tpu.memory_space<hbm>>
        %dma_start3A_214 = arith.constant 0 : i32
        %dma_start3A_215 = tpu.memref_slice %arg3[%add3A, %select_n3A_193, %mul3A_210, %dma_start3A_214] : memref<32x3x512x512xf32, #tpu.memory_space<hbm>> -> memref<1x1x32x512xf32, #tpu.memory_space<hbm>>
        %dma_start3A_216 = tpu.memref_squeeze %dma_start3A_215 : memref<1x1x32x512xf32, #tpu.memory_space<hbm>> -> memref<32x512xf32, #tpu.memory_space<hbm>>
        tpu.enqueue_dma source(%dma_start3A_216 : memref<32x512xf32, #tpu.memory_space<hbm>>) target(%arg7 : memref<32x512xf32, #tpu.memory_space<vmem>>) target_semaphore(%arg13 : memref<!tpu.dma_semaphore, #tpu.memory_space<semaphore_mem>>)
      } else {
      }
      %mul3A_111 = arith.constant 2 : i32
      %mul3A_112 = arith.muli %scan3A_65, %mul3A_111 : i32
      %add3A_113 = arith.constant 1 : i32
      %add3A_114 = arith.addi %mul3A_112, %add3A_113 : i32
      %dma_wait3A_115 = arith.constant 0 : i32
      %dma_wait3A_116 = arith.constant 0 : i32
      %dma_wait3A_117 = arith.constant 0 : i32
      %dma_wait3A_118 = tpu.memref_slice %arg3[%add3A, %dma_wait3A_115, %dma_wait3A_116, %dma_wait3A_117] : memref<32x3x512x512xf32, #tpu.memory_space<hbm>> -> memref<1x1x32x512xf32, #tpu.memory_space<hbm>>
      %dma_wait3A_119 = tpu.memref_squeeze %dma_wait3A_118 : memref<1x1x32x512xf32, #tpu.memory_space<hbm>> -> memref<32x512xf32, #tpu.memory_space<hbm>>
      %dma_wait3A_120 = arith.constant 0 : i32
      %dma_wait3A_121 = arith.constant 0 : i32
      %dma_wait3A_122 = tpu.memref_slice %arg3[%add3A, %dma_wait3A_115, %dma_wait3A_120, %dma_wait3A_121] : memref<32x3x512x512xf32, #tpu.memory_space<hbm>> -> memref<1x1x32x512xf32, #tpu.memory_space<hbm>>
      %dma_wait3A_123 = tpu.memref_squeeze %dma_wait3A_122 : memref<1x1x32x512xf32, #tpu.memory_space<hbm>> -> memref<32x512xf32, #tpu.memory_space<hbm>>
      tpu.wait_dma2 semaphore(%arg14 : memref<!tpu.dma_semaphore, #tpu.memory_space<semaphore_mem>>) src(%dma_wait3A_123 : memref<32x512xf32, #tpu.memory_space<hbm>>) dst(%arg8 : memref<32x512xf32, #tpu.memory_space<vmem>>)
      %jit3A_124 = arith.constant 16 : i32
      %div3A_125 = arith.divsi %add3A_114, %jit3A_124 : i32
      %sign3A_126 = arith.constant 0 : i32
      %sign3A_127 = arith.cmpi sgt, %add3A_114, %sign3A_126 : i32
      %sign3A_128 = arith.extui %sign3A_127 : i1 to i32
      %sign3A_129 = arith.constant 0 : i32
      %sign3A_130 = arith.cmpi slt, %add3A_114, %sign3A_129 : i32
      %sign3A_131 = arith.extui %sign3A_130 : i1 to i32
      %sign3A_132 = arith.subi %sign3A_128, %sign3A_131 : i32
      %sign3A_133 = arith.constant 0 : i32
      %sign3A_134 = arith.cmpi sgt, %jit3A_124, %sign3A_133 : i32
      %sign3A_135 = arith.extui %sign3A_134 : i1 to i32
      %sign3A_136 = arith.constant 0 : i32
      %sign3A_137 = arith.cmpi slt, %jit3A_124, %sign3A_136 : i32
      %sign3A_138 = arith.extui %sign3A_137 : i1 to i32
      %sign3A_139 = arith.subi %sign3A_135, %sign3A_138 : i32
      %ne3A_140 = arith.cmpi ne, %sign3A_132, %sign3A_139 : i32
      %rem3A_141 = arith.remsi %add3A_114, %jit3A_124 : i32
      %ne3A_142 = arith.constant 0 : i32
      %ne3A_143 = arith.cmpi ne, %rem3A_141, %ne3A_142 : i32
      %and3A_144 = arith.andi %ne3A_140, %ne3A_143 : i1
      %sub3A_145 = arith.constant 1 : i32
      %sub3A_146 = arith.subi %div3A_125, %sub3A_145 : i32
      %select_n3A_147 = arith.select %and3A_144, %sub3A_146, %div3A_125 : i32
      %add3A_148 = arith.constant 3 : i32
      %add3A_149 = arith.addi %add3A_148, %select_n3A_147 : i32
      %mul3A_150 = arith.constant 4096 : i32
      %mul3A_151 = arith.muli %add3A_149, %mul3A_150 : i32
      %add3A_152 = vector.broadcast %mul3A_151 : i32 to vector<16xi32>
      %add3A_153 = arith.addi %mul3A_3, %add3A_152 : vector<16xi32>
      %sub3A_154 = arith.constant 32512 : i32
      %sub3A_155 = vector.broadcast %sub3A_154 : i32 to vector<16xi32>
      %sub3A_156 = arith.subi %add3A_153, %sub3A_155 : vector<16xi32>
      %parallel_loop3A_157 = arith.constant 0 : i32
      %parallel_loop3A_158 = arith.constant 1024 : i32
      %parallel_loop3A_159 = arith.constant 1 : i32
      scf.for %parallel_loop3A_168 = %parallel_loop3A_157 to %parallel_loop3A_158 step %parallel_loop3A_159  : i32 {
        %parallel_loop3A_169 = arith.constant 32 : i32
        %parallel_loop3A_170 = arith.divsi %parallel_loop3A_168, %parallel_loop3A_169 : i32
        %parallel_loop3A_171 = arith.constant 0 : i32
        %parallel_loop3A_172 = arith.cmpi sgt, %parallel_loop3A_168, %parallel_loop3A_171 : i32
        %parallel_loop3A_173 = arith.extui %parallel_loop3A_172 : i1 to i32
        %parallel_loop3A_174 = arith.constant 0 : i32
        %parallel_loop3A_175 = arith.cmpi slt, %parallel_loop3A_168, %parallel_loop3A_174 : i32
        %parallel_loop3A_176 = arith.extui %parallel_loop3A_175 : i1 to i32
        %parallel_loop3A_177 = arith.subi %parallel_loop3A_173, %parallel_loop3A_176 : i32
        %parallel_loop3A_178 = arith.constant 0 : i32
        %parallel_loop3A_179 = arith.cmpi sgt, %parallel_loop3A_169, %parallel_loop3A_178 : i32
        %parallel_loop3A_180 = arith.extui %parallel_loop3A_179 : i1 to i32
        %parallel_loop3A_181 = arith.constant 0 : i32
        %parallel_loop3A_182 = arith.cmpi slt, %parallel_loop3A_169, %parallel_loop3A_181 : i32
        %parallel_loop3A_183 = arith.extui %parallel_loop3A_182 : i1 to i32
        %parallel_loop3A_184 = arith.subi %parallel_loop3A_180, %parallel_loop3A_183 : i32
        %parallel_loop3A_185 = arith.cmpi ne, %parallel_loop3A_177, %parallel_loop3A_184 : i32
        %parallel_loop3A_186 = arith.remsi %parallel_loop3A_168, %parallel_loop3A_169 : i32
        %parallel_loop3A_187 = arith.constant 0 : i32
        %parallel_loop3A_188 = arith.cmpi ne, %parallel_loop3A_186, %parallel_loop3A_187 : i32
        %parallel_loop3A_189 = arith.andi %parallel_loop3A_185, %parallel_loop3A_188 : i1
        %parallel_loop3A_190 = arith.constant 1 : i32
        %parallel_loop3A_191 = arith.subi %parallel_loop3A_170, %parallel_loop3A_190 : i32
        %parallel_loop3A_192 = arith.select %parallel_loop3A_189, %parallel_loop3A_191, %parallel_loop3A_170 : i32
        %parallel_loop3A_193 = arith.constant 32 : i32
        %parallel_loop3A_194 = arith.constant 0 : i32
        %parallel_loop3A_195 = arith.cmpi eq, %parallel_loop3A_193, %parallel_loop3A_194 : i32
        %parallel_loop3A_196 = arith.constant 1 : i32
        %parallel_loop3A_197 = arith.select %parallel_loop3A_195, %parallel_loop3A_196, %parallel_loop3A_193 : i32
        %parallel_loop3A_198 = arith.remsi %parallel_loop3A_168, %parallel_loop3A_197 : i32
        %parallel_loop3A_199 = arith.constant 0 : i32
        %parallel_loop3A_200 = arith.cmpi ne, %parallel_loop3A_198, %parallel_loop3A_199 : i32
        %parallel_loop3A_201 = arith.constant 0 : i32
        %parallel_loop3A_202 = arith.cmpi slt, %parallel_loop3A_198, %parallel_loop3A_201 : i32
        %parallel_loop3A_203 = arith.constant 0 : i32
        %parallel_loop3A_204 = arith.cmpi slt, %parallel_loop3A_197, %parallel_loop3A_203 : i32
        %parallel_loop3A_205 = arith.xori %parallel_loop3A_202, %parallel_loop3A_204 : i1
        %parallel_loop3A_206 = arith.andi %parallel_loop3A_205, %parallel_loop3A_200 : i1
        %parallel_loop3A_207 = arith.addi %parallel_loop3A_198, %parallel_loop3A_197 : i32
        %parallel_loop3A_208 = arith.select %parallel_loop3A_206, %parallel_loop3A_207, %parallel_loop3A_198 : i32
        %parallel_loop3A_209 = arith.constant 16 : i32
        %parallel_loop3A_210 = arith.muli %parallel_loop3A_208, %parallel_loop3A_209 : i32
        %parallel_loop3A_211 = arith.index_cast %parallel_loop3A_192 : i32 to index
        %parallel_loop3A_212 = arith.index_cast %parallel_loop3A_210 : i32 to index
        %parallel_loop3A_213 = tpu.vector_load %arg8[%parallel_loop3A_211, %parallel_loop3A_212] {strides = array<i32>} : memref<32x512xf32, #tpu.memory_space<vmem>>, vector<16xf32>,
        %parallel_loop3A_214 = arith.constant 1.000000e+00 : f32
        %parallel_loop3A_215 = vector.broadcast %parallel_loop3A_214 : f32 to vector<16xf32>
        %parallel_loop3A_216 = arith.addf %parallel_loop3A_213, %parallel_loop3A_215 : vector<16xf32>
        %parallel_loop3A_217 = vector.bitcast %parallel_loop3A_216 : vector<16xf32> to vector<16xi32>
        %parallel_loop3A_218 = arith.constant 15 : i32
        %parallel_loop3A_219 = vector.broadcast %parallel_loop3A_218 : i32 to vector<16xi32>
        %parallel_loop3A_220 = arith.shrsi %parallel_loop3A_217, %parallel_loop3A_219 : vector<16xi32>
        %parallel_loop3A_221 = arith.addi %parallel_loop3A_220, %sub3A_156 : vector<16xi32>
        tpu.vector_store_idx %arg9[%parallel_loop3A_221], %broadcast_in_dim3A_4 {add = true} : memref<24576xf32, #tpu.memory_space<vmem>>[vector<16xi32>], vector<16xf32>,
      } {sc.loop_unroll_factor = 8 : i64, sc.parallel_access}
      %add3A_160 = arith.constant 2 : i32
      %add3A_161 = arith.addi %add3A_114, %add3A_160 : i32
      %lt3A_162 = arith.constant 48 : i32
      %lt3A_163 = arith.cmpi slt, %add3A_161, %lt3A_162 : i32
      %convert_element_type3A_164 = arith.extui %lt3A_163 : i1 to i32
      %cond3A_165 = arith.constant 0 : i32
      %cond3A_166 = arith.cmpi ne, %convert_element_type3A_164, %cond3A_165 : i32
      scf.if %cond3A_166 {
        %add3A_168 = arith.constant 2 : i32
        %add3A_169 = arith.addi %add3A_114, %add3A_168 : i32
        %jit3A_170 = arith.constant 16 : i32
        %div3A_171 = arith.divsi %add3A_169, %jit3A_170 : i32
        %sign3A_172 = arith.constant 0 : i32
        %sign3A_173 = arith.cmpi sgt, %add3A_169, %sign3A_172 : i32
        %sign3A_174 = arith.extui %sign3A_173 : i1 to i32
        %sign3A_175 = arith.constant 0 : i32
        %sign3A_176 = arith.cmpi slt, %add3A_169, %sign3A_175 : i32
        %sign3A_177 = arith.extui %sign3A_176 : i1 to i32
        %sign3A_178 = arith.subi %sign3A_174, %sign3A_177 : i32
        %sign3A_179 = arith.constant 0 : i32
        %sign3A_180 = arith.cmpi sgt, %jit3A_170, %sign3A_179 : i32
        %sign3A_181 = arith.extui %sign3A_180 : i1 to i32
        %sign3A_182 = arith.constant 0 : i32
        %sign3A_183 = arith.cmpi slt, %jit3A_170, %sign3A_182 : i32
        %sign3A_184 = arith.extui %sign3A_183 : i1 to i32
        %sign3A_185 = arith.subi %sign3A_181, %sign3A_184 : i32
        %ne3A_186 = arith.cmpi ne, %sign3A_178, %sign3A_185 : i32
        %rem3A_187 = arith.remsi %add3A_169, %jit3A_170 : i32
        %ne3A_188 = arith.constant 0 : i32
        %ne3A_189 = arith.cmpi ne, %rem3A_187, %ne3A_188 : i32
        %and3A_190 = arith.andi %ne3A_186, %ne3A_189 : i1
        %sub3A_191 = arith.constant 1 : i32
        %sub3A_192 = arith.subi %div3A_171, %sub3A_191 : i32
        %select_n3A_193 = arith.select %and3A_190, %sub3A_192, %div3A_171 : i32
        %jit3A_194 = arith.constant 16 : i32
        %eq3A = arith.constant 0 : i32
        %eq3A_195 = arith.cmpi eq, %jit3A_194, %eq3A : i32
        %jit3A_196 = arith.constant 1 : i32
        %select_n3A_197 = arith.select %eq3A_195, %jit3A_196, %jit3A_194 : i32
        %rem3A_198 = arith.remsi %add3A_169, %select_n3A_197 : i32
        %ne3A_199 = arith.constant 0 : i32
        %ne3A_200 = arith.cmpi ne, %rem3A_198, %ne3A_199 : i32
        %lt3A_201 = arith.constant 0 : i32
        %lt3A_202 = arith.cmpi slt, %rem3A_198, %lt3A_201 : i32
        %lt3A_203 = arith.constant 0 : i32
        %lt3A_204 = arith.cmpi slt, %select_n3A_197, %lt3A_203 : i32
        %ne3A_205 = arith.xori %lt3A_202, %lt3A_204 : i1
        %and3A_206 = arith.andi %ne3A_205, %ne3A_200 : i1
        %add3A_207 = arith.addi %rem3A_198, %select_n3A_197 : i32
        %select_n3A_208 = arith.select %and3A_206, %add3A_207, %rem3A_198 : i32
        %mul3A_209 = arith.constant 32 : i32
        %mul3A_210 = arith.muli %select_n3A_208, %mul3A_209 : i32
        %dma_start3A_211 = arith.constant 0 : i32
        %dma_start3A_212 = tpu.memref_slice %arg3[%add3A, %select_n3A_193, %mul3A_210, %dma_start3A_211] : memref<32x3x512x512xf32, #tpu.memory_space<hbm>> -> memref<1x1x32x512xf32, #tpu.memory_space<hbm>>
        %dma_start3A_213 = tpu.memref_squeeze %dma_start3A_212 : memref<1x1x32x512xf32, #tpu.memory_space<hbm>> -> memref<32x512xf32, #tpu.memory_space<hbm>>
        %dma_start3A_214 = arith.constant 0 : i32
        %dma_start3A_215 = tpu.memref_slice %arg3[%add3A, %select_n3A_193, %mul3A_210, %dma_start3A_214] : memref<32x3x512x512xf32, #tpu.memory_space<hbm>> -> memref<1x1x32x512xf32, #tpu.memory_space<hbm>>
        %dma_start3A_216 = tpu.memref_squeeze %dma_start3A_215 : memref<1x1x32x512xf32, #tpu.memory_space<hbm>> -> memref<32x512xf32, #tpu.memory_space<hbm>>
        tpu.enqueue_dma source(%dma_start3A_216 : memref<32x512xf32, #tpu.memory_space<hbm>>) target(%arg8 : memref<32x512xf32, #tpu.memory_space<vmem>>) target_semaphore(%arg14 : memref<!tpu.dma_semaphore, #tpu.memory_space<semaphore_mem>>)
      } else {
      }
      %scan3A_167 = arith.constant 0 : i32
      scf.yield %scan3A_167 : i32
    }
    %scan3A_56 = arith.constant 24 : i32
    %parallel_loop3A_57 = arith.constant 0 : i32
    %parallel_loop3A_58 = arith.constant 96 : i32
    %parallel_loop3A_59 = arith.constant 1 : i32
    scf.for %parallel_loop3A_65 = %parallel_loop3A_57 to %parallel_loop3A_58 step %parallel_loop3A_59  : i32 {
      %parallel_loop3A_66 = arith.constant 16 : i32
      %parallel_loop3A_67 = arith.divsi %parallel_loop3A_65, %parallel_loop3A_66 : i32
      %parallel_loop3A_68 = arith.constant 0 : i32
      %parallel_loop3A_69 = arith.cmpi sgt, %parallel_loop3A_65, %parallel_loop3A_68 : i32
      %parallel_loop3A_70 = arith.extui %parallel_loop3A_69 : i1 to i32
      %parallel_loop3A_71 = arith.constant 0 : i32
      %parallel_loop3A_72 = arith.cmpi slt, %parallel_loop3A_65, %parallel_loop3A_71 : i32
      %parallel_loop3A_73 = arith.extui %parallel_loop3A_72 : i1 to i32
      %parallel_loop3A_74 = arith.subi %parallel_loop3A_70, %parallel_loop3A_73 : i32
      %parallel_loop3A_75 = arith.constant 0 : i32
      %parallel_loop3A_76 = arith.cmpi sgt, %parallel_loop3A_66, %parallel_loop3A_75 : i32
      %parallel_loop3A_77 = arith.extui %parallel_loop3A_76 : i1 to i32
      %parallel_loop3A_78 = arith.constant 0 : i32
      %parallel_loop3A_79 = arith.cmpi slt, %parallel_loop3A_66, %parallel_loop3A_78 : i32
      %parallel_loop3A_80 = arith.extui %parallel_loop3A_79 : i1 to i32
      %parallel_loop3A_81 = arith.subi %parallel_loop3A_77, %parallel_loop3A_80 : i32
      %parallel_loop3A_82 = arith.cmpi ne, %parallel_loop3A_74, %parallel_loop3A_81 : i32
      %parallel_loop3A_83 = arith.remsi %parallel_loop3A_65, %parallel_loop3A_66 : i32
      %parallel_loop3A_84 = arith.constant 0 : i32
      %parallel_loop3A_85 = arith.cmpi ne, %parallel_loop3A_83, %parallel_loop3A_84 : i32
      %parallel_loop3A_86 = arith.andi %parallel_loop3A_82, %parallel_loop3A_85 : i1
      %parallel_loop3A_87 = arith.constant 1 : i32
      %parallel_loop3A_88 = arith.subi %parallel_loop3A_67, %parallel_loop3A_87 : i32
      %parallel_loop3A_89 = arith.select %parallel_loop3A_86, %parallel_loop3A_88, %parallel_loop3A_67 : i32
      %parallel_loop3A_90 = arith.constant 16 : i32
      %parallel_loop3A_91 = arith.constant 0 : i32
      %parallel_loop3A_92 = arith.cmpi eq, %parallel_loop3A_90, %parallel_loop3A_91 : i32
      %parallel_loop3A_93 = arith.constant 1 : i32
      %parallel_loop3A_94 = arith.select %parallel_loop3A_92, %parallel_loop3A_93, %parallel_loop3A_90 : i32
      %parallel_loop3A_95 = arith.remsi %parallel_loop3A_65, %parallel_loop3A_94 : i32
      %parallel_loop3A_96 = arith.constant 0 : i32
      %parallel_loop3A_97 = arith.cmpi ne, %parallel_loop3A_95, %parallel_loop3A_96 : i32
      %parallel_loop3A_98 = arith.constant 0 : i32
      %parallel_loop3A_99 = arith.cmpi slt, %parallel_loop3A_95, %parallel_loop3A_98 : i32
      %parallel_loop3A_100 = arith.constant 0 : i32
      %parallel_loop3A_101 = arith.cmpi slt, %parallel_loop3A_94, %parallel_loop3A_100 : i32
      %parallel_loop3A_102 = arith.xori %parallel_loop3A_99, %parallel_loop3A_101 : i1
      %parallel_loop3A_103 = arith.andi %parallel_loop3A_102, %parallel_loop3A_97 : i1
      %parallel_loop3A_104 = arith.addi %parallel_loop3A_95, %parallel_loop3A_94 : i32
      %parallel_loop3A_105 = arith.select %parallel_loop3A_103, %parallel_loop3A_104, %parallel_loop3A_95 : i32
      %parallel_loop3A_106 = arith.constant 4096 : i32
      %parallel_loop3A_107 = arith.muli %parallel_loop3A_89, %parallel_loop3A_106 : i32
      %parallel_loop3A_108 = arith.constant 0 : i32
      %parallel_loop3A_109 = arith.addi %parallel_loop3A_107, %parallel_loop3A_108 : i32
      %parallel_loop3A_110 = arith.constant 16 : i32
      %parallel_loop3A_111 = arith.muli %parallel_loop3A_105, %parallel_loop3A_110 : i32
      %parallel_loop3A_112 = arith.addi %parallel_loop3A_109, %parallel_loop3A_111 : i32
      %parallel_loop3A_113 = arith.index_cast %parallel_loop3A_112 : i32 to index
      %parallel_loop3A_114 = tpu.vector_load %arg9[%parallel_loop3A_113] {strides = array<i32>} : memref<24576xf32, #tpu.memory_space<vmem>>, vector<16xf32>,
      %parallel_loop3A_115 = arith.constant 4096 : i32
      %parallel_loop3A_116 = arith.muli %parallel_loop3A_89, %parallel_loop3A_115 : i32
      %parallel_loop3A_117 = arith.constant 256 : i32
      %parallel_loop3A_118 = arith.addi %parallel_loop3A_116, %parallel_loop3A_117 : i32
      %parallel_loop3A_119 = arith.constant 16 : i32
      %parallel_loop3A_120 = arith.muli %parallel_loop3A_105, %parallel_loop3A_119 : i32
      %parallel_loop3A_121 = arith.addi %parallel_loop3A_118, %parallel_loop3A_120 : i32
      %parallel_loop3A_122 = arith.index_cast %parallel_loop3A_121 : i32 to index
      %parallel_loop3A_123 = tpu.vector_load %arg9[%parallel_loop3A_122] {strides = array<i32>} : memref<24576xf32, #tpu.memory_space<vmem>>, vector<16xf32>,
      %parallel_loop3A_124 = arith.constant 4096 : i32
      %parallel_loop3A_125 = arith.muli %parallel_loop3A_89, %parallel_loop3A_124 : i32
      %parallel_loop3A_126 = arith.constant 512 : i32
      %parallel_loop3A_127 = arith.addi %parallel_loop3A_125, %parallel_loop3A_126 : i32
      %parallel_loop3A_128 = arith.constant 16 : i32
      %parallel_loop3A_129 = arith.muli %parallel_loop3A_105, %parallel_loop3A_128 : i32
      %parallel_loop3A_130 = arith.addi %parallel_loop3A_127, %parallel_loop3A_129 : i32
      %parallel_loop3A_131 = arith.index_cast %parallel_loop3A_130 : i32 to index
      %parallel_loop3A_132 = tpu.vector_load %arg9[%parallel_loop3A_131] {strides = array<i32>} : memref<24576xf32, #tpu.memory_space<vmem>>, vector<16xf32>,
      %parallel_loop3A_133 = arith.constant 4096 : i32
      %parallel_loop3A_134 = arith.muli %parallel_loop3A_89, %parallel_loop3A_133 : i32
      %parallel_loop3A_135 = arith.constant 768 : i32
      %parallel_loop3A_136 = arith.addi %parallel_loop3A_134, %parallel_loop3A_135 : i32
      %parallel_loop3A_137 = arith.constant 16 : i32
      %parallel_loop3A_138 = arith.muli %parallel_loop3A_105, %parallel_loop3A_137 : i32
      %parallel_loop3A_139 = arith.addi %parallel_loop3A_136, %parallel_loop3A_138 : i32
      %parallel_loop3A_140 = arith.index_cast %parallel_loop3A_139 : i32 to index
      %parallel_loop3A_141 = tpu.vector_load %arg9[%parallel_loop3A_140] {strides = array<i32>} : memref<24576xf32, #tpu.memory_space<vmem>>, vector<16xf32>,
      %parallel_loop3A_142 = arith.constant 4096 : i32
      %parallel_loop3A_143 = arith.muli %parallel_loop3A_89, %parallel_loop3A_142 : i32
      %parallel_loop3A_144 = arith.constant 1024 : i32
      %parallel_loop3A_145 = arith.addi %parallel_loop3A_143, %parallel_loop3A_144 : i32
      %parallel_loop3A_146 = arith.constant 16 : i32
      %parallel_loop3A_147 = arith.muli %parallel_loop3A_105, %parallel_loop3A_146 : i32
      %parallel_loop3A_148 = arith.addi %parallel_loop3A_145, %parallel_loop3A_147 : i32
      %parallel_loop3A_149 = arith.index_cast %parallel_loop3A_148 : i32 to index
      %parallel_loop3A_150 = tpu.vector_load %arg9[%parallel_loop3A_149] {strides = array<i32>} : memref<24576xf32, #tpu.memory_space<vmem>>, vector<16xf32>,
      %parallel_loop3A_151 = arith.constant 4096 : i32
      %parallel_loop3A_152 = arith.muli %parallel_loop3A_89, %parallel_loop3A_151 : i32
      %parallel_loop3A_153 = arith.constant 1280 : i32
      %parallel_loop3A_154 = arith.addi %parallel_loop3A_152, %parallel_loop3A_153 : i32
      %parallel_loop3A_155 = arith.constant 16 : i32
      %parallel_loop3A_156 = arith.muli %parallel_loop3A_105, %parallel_loop3A_155 : i32
      %parallel_loop3A_157 = arith.addi %parallel_loop3A_154, %parallel_loop3A_156 : i32
      %parallel_loop3A_158 = arith.index_cast %parallel_loop3A_157 : i32 to index
      %parallel_loop3A_159 = tpu.vector_load %arg9[%parallel_loop3A_158] {strides = array<i32>} : memref<24576xf32, #tpu.memory_space<vmem>>, vector<16xf32>,
      %parallel_loop3A_160 = arith.constant 4096 : i32
      %parallel_loop3A_161 = arith.muli %parallel_loop3A_89, %parallel_loop3A_160 : i32
      %parallel_loop3A_162 = arith.constant 1536 : i32
      %parallel_loop3A_163 = arith.addi %parallel_loop3A_161, %parallel_loop3A_162 : i32
      %parallel_loop3A_164 = arith.constant 16 : i32
      %parallel_loop3A_165 = arith.muli %parallel_loop3A_105, %parallel_loop3A_164 : i32
      %parallel_loop3A_166 = arith.addi %parallel_loop3A_163, %parallel_loop3A_165 : i32
      %parallel_loop3A_167 = arith.index_cast %parallel_loop3A_166 : i32 to index
      %parallel_loop3A_168 = tpu.vector_load %arg9[%parallel_loop3A_167] {strides = array<i32>} : memref<24576xf32, #tpu.memory_space<vmem>>, vector<16xf32>,
      %parallel_loop3A_169 = arith.constant 4096 : i32
      %parallel_loop3A_170 = arith.muli %parallel_loop3A_89, %parallel_loop3A_169 : i32
      %parallel_loop3A_171 = arith.constant 1792 : i32
      %parallel_loop3A_172 = arith.addi %parallel_loop3A_170, %parallel_loop3A_171 : i32
      %parallel_loop3A_173 = arith.constant 16 : i32
      %parallel_loop3A_174 = arith.muli %parallel_loop3A_105, %parallel_loop3A_173 : i32
      %parallel_loop3A_175 = arith.addi %parallel_loop3A_172, %parallel_loop3A_174 : i32
      %parallel_loop3A_176 = arith.index_cast %parallel_loop3A_175 : i32 to index
      %parallel_loop3A_177 = tpu.vector_load %arg9[%parallel_loop3A_176] {strides = array<i32>} : memref<24576xf32, #tpu.memory_space<vmem>>, vector<16xf32>,
      %parallel_loop3A_178 = arith.constant 4096 : i32
      %parallel_loop3A_179 = arith.muli %parallel_loop3A_89, %parallel_loop3A_178 : i32
      %parallel_loop3A_180 = arith.constant 2048 : i32
      %parallel_loop3A_181 = arith.addi %parallel_loop3A_179, %parallel_loop3A_180 : i32
      %parallel_loop3A_182 = arith.constant 16 : i32
      %parallel_loop3A_183 = arith.muli %parallel_loop3A_105, %parallel_loop3A_182 : i32
      %parallel_loop3A_184 = arith.addi %parallel_loop3A_181, %parallel_loop3A_183 : i32
      %parallel_loop3A_185 = arith.index_cast %parallel_loop3A_184 : i32 to index
      %parallel_loop3A_186 = tpu.vector_load %arg9[%parallel_loop3A_185] {strides = array<i32>} : memref<24576xf32, #tpu.memory_space<vmem>>, vector<16xf32>,
      %parallel_loop3A_187 = arith.constant 4096 : i32
      %parallel_loop3A_188 = arith.muli %parallel_loop3A_89, %parallel_loop3A_187 : i32
      %parallel_loop3A_189 = arith.constant 2304 : i32
      %parallel_loop3A_190 = arith.addi %parallel_loop3A_188, %parallel_loop3A_189 : i32
      %parallel_loop3A_191 = arith.constant 16 : i32
      %parallel_loop3A_192 = arith.muli %parallel_loop3A_105, %parallel_loop3A_191 : i32
      %parallel_loop3A_193 = arith.addi %parallel_loop3A_190, %parallel_loop3A_192 : i32
      %parallel_loop3A_194 = arith.index_cast %parallel_loop3A_193 : i32 to index
      %parallel_loop3A_195 = tpu.vector_load %arg9[%parallel_loop3A_194] {strides = array<i32>} : memref<24576xf32, #tpu.memory_space<vmem>>, vector<16xf32>,
      %parallel_loop3A_196 = arith.constant 4096 : i32
      %parallel_loop3A_197 = arith.muli %parallel_loop3A_89, %parallel_loop3A_196 : i32
      %parallel_loop3A_198 = arith.constant 2560 : i32
      %parallel_loop3A_199 = arith.addi %parallel_loop3A_197, %parallel_loop3A_198 : i32
      %parallel_loop3A_200 = arith.constant 16 : i32
      %parallel_loop3A_201 = arith.muli %parallel_loop3A_105, %parallel_loop3A_200 : i32
      %parallel_loop3A_202 = arith.addi %parallel_loop3A_199, %parallel_loop3A_201 : i32
      %parallel_loop3A_203 = arith.index_cast %parallel_loop3A_202 : i32 to index
      %parallel_loop3A_204 = tpu.vector_load %arg9[%parallel_loop3A_203] {strides = array<i32>} : memref<24576xf32, #tpu.memory_space<vmem>>, vector<16xf32>,
      %parallel_loop3A_205 = arith.constant 4096 : i32
      %parallel_loop3A_206 = arith.muli %parallel_loop3A_89, %parallel_loop3A_205 : i32
      %parallel_loop3A_207 = arith.constant 2816 : i32
      %parallel_loop3A_208 = arith.addi %parallel_loop3A_206, %parallel_loop3A_207 : i32
      %parallel_loop3A_209 = arith.constant 16 : i32
      %parallel_loop3A_210 = arith.muli %parallel_loop3A_105, %parallel_loop3A_209 : i32
      %parallel_loop3A_211 = arith.addi %parallel_loop3A_208, %parallel_loop3A_210 : i32
      %parallel_loop3A_212 = arith.index_cast %parallel_loop3A_211 : i32 to index
      %parallel_loop3A_213 = tpu.vector_load %arg9[%parallel_loop3A_212] {strides = array<i32>} : memref<24576xf32, #tpu.memory_space<vmem>>, vector<16xf32>,
      %parallel_loop3A_214 = arith.constant 4096 : i32
      %parallel_loop3A_215 = arith.muli %parallel_loop3A_89, %parallel_loop3A_214 : i32
      %parallel_loop3A_216 = arith.constant 3072 : i32
      %parallel_loop3A_217 = arith.addi %parallel_loop3A_215, %parallel_loop3A_216 : i32
      %parallel_loop3A_218 = arith.constant 16 : i32
      %parallel_loop3A_219 = arith.muli %parallel_loop3A_105, %parallel_loop3A_218 : i32
      %parallel_loop3A_220 = arith.addi %parallel_loop3A_217, %parallel_loop3A_219 : i32
      %parallel_loop3A_221 = arith.index_cast %parallel_loop3A_220 : i32 to index
      %parallel_loop3A_222 = tpu.vector_load %arg9[%parallel_loop3A_221] {strides = array<i32>} : memref<24576xf32, #tpu.memory_space<vmem>>, vector<16xf32>,
      %parallel_loop3A_223 = arith.constant 4096 : i32
      %parallel_loop3A_224 = arith.muli %parallel_loop3A_89, %parallel_loop3A_223 : i32
      %parallel_loop3A_225 = arith.constant 3328 : i32
      %parallel_loop3A_226 = arith.addi %parallel_loop3A_224, %parallel_loop3A_225 : i32
      %parallel_loop3A_227 = arith.constant 16 : i32
      %parallel_loop3A_228 = arith.muli %parallel_loop3A_105, %parallel_loop3A_227 : i32
      %parallel_loop3A_229 = arith.addi %parallel_loop3A_226, %parallel_loop3A_228 : i32
      %parallel_loop3A_230 = arith.index_cast %parallel_loop3A_229 : i32 to index
      %parallel_loop3A_231 = tpu.vector_load %arg9[%parallel_loop3A_230] {strides = array<i32>} : memref<24576xf32, #tpu.memory_space<vmem>>, vector<16xf32>,
      %parallel_loop3A_232 = arith.constant 4096 : i32
      %parallel_loop3A_233 = arith.muli %parallel_loop3A_89, %parallel_loop3A_232 : i32
      %parallel_loop3A_234 = arith.constant 3584 : i32
      %parallel_loop3A_235 = arith.addi %parallel_loop3A_233, %parallel_loop3A_234 : i32
      %parallel_loop3A_236 = arith.constant 16 : i32
      %parallel_loop3A_237 = arith.muli %parallel_loop3A_105, %parallel_loop3A_236 : i32
      %parallel_loop3A_238 = arith.addi %parallel_loop3A_235, %parallel_loop3A_237 : i32
      %parallel_loop3A_239 = arith.index_cast %parallel_loop3A_238 : i32 to index
      %parallel_loop3A_240 = tpu.vector_load %arg9[%parallel_loop3A_239] {strides = array<i32>} : memref<24576xf32, #tpu.memory_space<vmem>>, vector<16xf32>,
      %parallel_loop3A_241 = arith.constant 4096 : i32
      %parallel_loop3A_242 = arith.muli %parallel_loop3A_89, %parallel_loop3A_241 : i32
      %parallel_loop3A_243 = arith.constant 3840 : i32
      %parallel_loop3A_244 = arith.addi %parallel_loop3A_242, %parallel_loop3A_243 : i32
      %parallel_loop3A_245 = arith.constant 16 : i32
      %parallel_loop3A_246 = arith.muli %parallel_loop3A_105, %parallel_loop3A_245 : i32
      %parallel_loop3A_247 = arith.addi %parallel_loop3A_244, %parallel_loop3A_246 : i32
      %parallel_loop3A_248 = arith.index_cast %parallel_loop3A_247 : i32 to index
      %parallel_loop3A_249 = tpu.vector_load %arg9[%parallel_loop3A_248] {strides = array<i32>} : memref<24576xf32, #tpu.memory_space<vmem>>, vector<16xf32>,
      %parallel_loop3A_250 = arith.addf %parallel_loop3A_114, %parallel_loop3A_123 : vector<16xf32>
      %parallel_loop3A_251 = arith.addf %parallel_loop3A_132, %parallel_loop3A_141 : vector<16xf32>
      %parallel_loop3A_252 = arith.addf %parallel_loop3A_150, %parallel_loop3A_159 : vector<16xf32>
      %parallel_loop3A_253 = arith.addf %parallel_loop3A_168, %parallel_loop3A_177 : vector<16xf32>
      %parallel_loop3A_254 = arith.addf %parallel_loop3A_186, %parallel_loop3A_195 : vector<16xf32>
      %parallel_loop3A_255 = arith.addf %parallel_loop3A_204, %parallel_loop3A_213 : vector<16xf32>
      %parallel_loop3A_256 = arith.addf %parallel_loop3A_222, %parallel_loop3A_231 : vector<16xf32>
      %parallel_loop3A_257 = arith.addf %parallel_loop3A_240, %parallel_loop3A_249 : vector<16xf32>
      %parallel_loop3A_258 = arith.addf %parallel_loop3A_250, %parallel_loop3A_251 : vector<16xf32>
      %parallel_loop3A_259 = arith.addf %parallel_loop3A_252, %parallel_loop3A_253 : vector<16xf32>
      %parallel_loop3A_260 = arith.addf %parallel_loop3A_254, %parallel_loop3A_255 : vector<16xf32>
      %parallel_loop3A_261 = arith.addf %parallel_loop3A_256, %parallel_loop3A_257 : vector<16xf32>
      %parallel_loop3A_262 = arith.addf %parallel_loop3A_258, %parallel_loop3A_259 : vector<16xf32>
      %parallel_loop3A_263 = arith.addf %parallel_loop3A_260, %parallel_loop3A_261 : vector<16xf32>
      %parallel_loop3A_264 = arith.addf %parallel_loop3A_262, %parallel_loop3A_263 : vector<16xf32>
      %parallel_loop3A_265 = arith.constant 256 : i32
      %parallel_loop3A_266 = arith.muli %parallel_loop3A_89, %parallel_loop3A_265 : i32
      %parallel_loop3A_267 = arith.constant 16 : i32
      %parallel_loop3A_268 = arith.muli %parallel_loop3A_105, %parallel_loop3A_267 : i32
      %parallel_loop3A_269 = arith.addi %parallel_loop3A_266, %parallel_loop3A_268 : i32
      %parallel_loop3A_270 = arith.index_cast %parallel_loop3A_269 : i32 to index
      %parallel_loop3A_271 = tpu.vector_load %arg10[%parallel_loop3A_270] {strides = array<i32>} : memref<1536xf32, #tpu.memory_space<vmem>>, vector<16xf32>,
      tpu.vector_store %arg10[%parallel_loop3A_270], %parallel_loop3A_264 {strides = array<i32>} : memref<1536xf32, #tpu.memory_space<vmem>>, vector<16xf32>,
    } {sc.loop_unroll_factor = 1 : i64, sc.parallel_access}
    %run_scoped3A = arith.constant 0 : i32
    "tpu.region"() ({
      %run_scoped3A_65 = tpu.sem_alloc : memref<!tpu.dma_semaphore, #tpu.memory_space<semaphore_mem>>
      %dma_start3A_66 = arith.constant 0 : i32
      %dma_start3A_67 = tpu.memref_slice %arg10[%dma_start3A_66] : memref<1536xf32, #tpu.memory_space<vmem>> -> memref<256xf32, #tpu.memory_space<vmem>>
      %dma_start3A_68 = arith.constant 0 : i32
      %dma_start3A_69 = tpu.memref_slice %arg4[%run_scoped3A, %add3A, %dma_start3A_68] : memref<6x32x256xf32, #tpu.memory_space<hbm>> -> memref<1x1x256xf32, #tpu.memory_space<hbm>>
      %dma_start3A_70 = tpu.memref_squeeze %dma_start3A_69 : memref<1x1x256xf32, #tpu.memory_space<hbm>> -> memref<256xf32, #tpu.memory_space<hbm>>
      %dma_start3A_71 = arith.constant 0 : i32
      %dma_start3A_72 = tpu.memref_slice %arg4[%run_scoped3A, %add3A, %dma_start3A_71] : memref<6x32x256xf32, #tpu.memory_space<hbm>> -> memref<1x1x256xf32, #tpu.memory_space<hbm>>
      %dma_start3A_73 = tpu.memref_squeeze %dma_start3A_72 : memref<1x1x256xf32, #tpu.memory_space<hbm>> -> memref<256xf32, #tpu.memory_space<hbm>>
      %dma_start3A_74 = arith.constant 0 : i32
      %dma_start3A_75 = tpu.memref_slice %arg10[%dma_start3A_74] : memref<1536xf32, #tpu.memory_space<vmem>> -> memref<256xf32, #tpu.memory_space<vmem>>
      tpu.enqueue_dma source(%dma_start3A_75 : memref<256xf32, #tpu.memory_space<vmem>>) target(%dma_start3A_73 : memref<256xf32, #tpu.memory_space<hbm>>) target_semaphore(%run_scoped3A_65 : memref<!tpu.dma_semaphore, #tpu.memory_space<semaphore_mem>>)
      %dma_wait3A = arith.constant 0 : i32
      %dma_wait3A_76 = tpu.memref_slice %arg10[%dma_wait3A] : memref<1536xf32, #tpu.memory_space<vmem>> -> memref<256xf32, #tpu.memory_space<vmem>>
      %dma_wait3A_77 = arith.constant 0 : i32
      %dma_wait3A_78 = tpu.memref_slice %arg4[%run_scoped3A, %add3A, %dma_wait3A_77] : memref<6x32x256xf32, #tpu.memory_space<hbm>> -> memref<1x1x256xf32, #tpu.memory_space<hbm>>
      %dma_wait3A_79 = tpu.memref_squeeze %dma_wait3A_78 : memref<1x1x256xf32, #tpu.memory_space<hbm>> -> memref<256xf32, #tpu.memory_space<hbm>>
      %dma_wait3A_80 = arith.constant 0 : i32
      %dma_wait3A_81 = tpu.memref_slice %arg4[%run_scoped3A, %add3A, %dma_wait3A_80] : memref<6x32x256xf32, #tpu.memory_space<hbm>> -> memref<1x1x256xf32, #tpu.memory_space<hbm>>
      %dma_wait3A_82 = tpu.memref_squeeze %dma_wait3A_81 : memref<1x1x256xf32, #tpu.memory_space<hbm>> -> memref<256xf32, #tpu.memory_space<hbm>>
      %dma_wait3A_83 = arith.constant 0 : i32
      %dma_wait3A_84 = tpu.memref_slice %arg10[%dma_wait3A_83] : memref<1536xf32, #tpu.memory_space<vmem>> -> memref<256xf32, #tpu.memory_space<vmem>>
      tpu.wait_dma2 semaphore(%run_scoped3A_65 : memref<!tpu.dma_semaphore, #tpu.memory_space<semaphore_mem>>) src(%dma_wait3A_84 : memref<256xf32, #tpu.memory_space<vmem>>) dst(%dma_wait3A_82 : memref<256xf32, #tpu.memory_space<hbm>>)
      tpu.yield
    }) : () -> ()
    %run_scoped3A_60 = arith.constant 1 : i32
    "tpu.region"() ({
      %run_scoped3A_65 = tpu.sem_alloc : memref<!tpu.dma_semaphore, #tpu.memory_space<semaphore_mem>>
      %dma_start3A_66 = arith.constant 256 : i32
      %dma_start3A_67 = tpu.memref_slice %arg10[%dma_start3A_66] : memref<1536xf32, #tpu.memory_space<vmem>> -> memref<256xf32, #tpu.memory_space<vmem>>
      %dma_start3A_68 = arith.constant 0 : i32
      %dma_start3A_69 = tpu.memref_slice %arg4[%run_scoped3A_60, %add3A, %dma_start3A_68] : memref<6x32x256xf32, #tpu.memory_space<hbm>> -> memref<1x1x256xf32, #tpu.memory_space<hbm>>
      %dma_start3A_70 = tpu.memref_squeeze %dma_start3A_69 : memref<1x1x256xf32, #tpu.memory_space<hbm>> -> memref<256xf32, #tpu.memory_space<hbm>>
      %dma_start3A_71 = arith.constant 0 : i32
      %dma_start3A_72 = tpu.memref_slice %arg4[%run_scoped3A_60, %add3A, %dma_start3A_71] : memref<6x32x256xf32, #tpu.memory_space<hbm>> -> memref<1x1x256xf32, #tpu.memory_space<hbm>>
      %dma_start3A_73 = tpu.memref_squeeze %dma_start3A_72 : memref<1x1x256xf32, #tpu.memory_space<hbm>> -> memref<256xf32, #tpu.memory_space<hbm>>
      %dma_start3A_74 = arith.constant 256 : i32
      %dma_start3A_75 = tpu.memref_slice %arg10[%dma_start3A_74] : memref<1536xf32, #tpu.memory_space<vmem>> -> memref<256xf32, #tpu.memory_space<vmem>>
      tpu.enqueue_dma source(%dma_start3A_75 : memref<256xf32, #tpu.memory_space<vmem>>) target(%dma_start3A_73 : memref<256xf32, #tpu.memory_space<hbm>>) target_semaphore(%run_scoped3A_65 : memref<!tpu.dma_semaphore, #tpu.memory_space<semaphore_mem>>)
      %dma_wait3A = arith.constant 256 : i32
      %dma_wait3A_76 = tpu.memref_slice %arg10[%dma_wait3A] : memref<1536xf32, #tpu.memory_space<vmem>> -> memref<256xf32, #tpu.memory_space<vmem>>
      %dma_wait3A_77 = arith.constant 0 : i32
      %dma_wait3A_78 = tpu.memref_slice %arg4[%run_scoped3A_60, %add3A, %dma_wait3A_77] : memref<6x32x256xf32, #tpu.memory_space<hbm>> -> memref<1x1x256xf32, #tpu.memory_space<hbm>>
      %dma_wait3A_79 = tpu.memref_squeeze %dma_wait3A_78 : memref<1x1x256xf32, #tpu.memory_space<hbm>> -> memref<256xf32, #tpu.memory_space<hbm>>
      %dma_wait3A_80 = arith.constant 0 : i32
      %dma_wait3A_81 = tpu.memref_slice %arg4[%run_scoped3A_60, %add3A, %dma_wait3A_80] : memref<6x32x256xf32, #tpu.memory_space<hbm>> -> memref<1x1x256xf32, #tpu.memory_space<hbm>>
      %dma_wait3A_82 = tpu.memref_squeeze %dma_wait3A_81 : memref<1x1x256xf32, #tpu.memory_space<hbm>> -> memref<256xf32, #tpu.memory_space<hbm>>
      %dma_wait3A_83 = arith.constant 256 : i32
      %dma_wait3A_84 = tpu.memref_slice %arg10[%dma_wait3A_83] : memref<1536xf32, #tpu.memory_space<vmem>> -> memref<256xf32, #tpu.memory_space<vmem>>
      tpu.wait_dma2 semaphore(%run_scoped3A_65 : memref<!tpu.dma_semaphore, #tpu.memory_space<semaphore_mem>>) src(%dma_wait3A_84 : memref<256xf32, #tpu.memory_space<vmem>>) dst(%dma_wait3A_82 : memref<256xf32, #tpu.memory_space<hbm>>)
      tpu.yield
    }) : () -> ()
    %run_scoped3A_61 = arith.constant 2 : i32
    "tpu.region"() ({
      %run_scoped3A_65 = tpu.sem_alloc : memref<!tpu.dma_semaphore, #tpu.memory_space<semaphore_mem>>
      %dma_start3A_66 = arith.constant 512 : i32
      %dma_start3A_67 = tpu.memref_slice %arg10[%dma_start3A_66] : memref<1536xf32, #tpu.memory_space<vmem>> -> memref<256xf32, #tpu.memory_space<vmem>>
      %dma_start3A_68 = arith.constant 0 : i32
      %dma_start3A_69 = tpu.memref_slice %arg4[%run_scoped3A_61, %add3A, %dma_start3A_68] : memref<6x32x256xf32, #tpu.memory_space<hbm>> -> memref<1x1x256xf32, #tpu.memory_space<hbm>>
      %dma_start3A_70 = tpu.memref_squeeze %dma_start3A_69 : memref<1x1x256xf32, #tpu.memory_space<hbm>> -> memref<256xf32, #tpu.memory_space<hbm>>
      %dma_start3A_71 = arith.constant 0 : i32
      %dma_start3A_72 = tpu.memref_slice %arg4[%run_scoped3A_61, %add3A, %dma_start3A_71] : memref<6x32x256xf32, #tpu.memory_space<hbm>> -> memref<1x1x256xf32, #tpu.memory_space<hbm>>
      %dma_start3A_73 = tpu.memref_squeeze %dma_start3A_72 : memref<1x1x256xf32, #tpu.memory_space<hbm>> -> memref<256xf32, #tpu.memory_space<hbm>>
      %dma_start3A_74 = arith.constant 512 : i32
      %dma_start3A_75 = tpu.memref_slice %arg10[%dma_start3A_74] : memref<1536xf32, #tpu.memory_space<vmem>> -> memref<256xf32, #tpu.memory_space<vmem>>
      tpu.enqueue_dma source(%dma_start3A_75 : memref<256xf32, #tpu.memory_space<vmem>>) target(%dma_start3A_73 : memref<256xf32, #tpu.memory_space<hbm>>) target_semaphore(%run_scoped3A_65 : memref<!tpu.dma_semaphore, #tpu.memory_space<semaphore_mem>>)
      %dma_wait3A = arith.constant 512 : i32
      %dma_wait3A_76 = tpu.memref_slice %arg10[%dma_wait3A] : memref<1536xf32, #tpu.memory_space<vmem>> -> memref<256xf32, #tpu.memory_space<vmem>>
      %dma_wait3A_77 = arith.constant 0 : i32
      %dma_wait3A_78 = tpu.memref_slice %arg4[%run_scoped3A_61, %add3A, %dma_wait3A_77] : memref<6x32x256xf32, #tpu.memory_space<hbm>> -> memref<1x1x256xf32, #tpu.memory_space<hbm>>
      %dma_wait3A_79 = tpu.memref_squeeze %dma_wait3A_78 : memref<1x1x256xf32, #tpu.memory_space<hbm>> -> memref<256xf32, #tpu.memory_space<hbm>>
      %dma_wait3A_80 = arith.constant 0 : i32
      %dma_wait3A_81 = tpu.memref_slice %arg4[%run_scoped3A_61, %add3A, %dma_wait3A_80] : memref<6x32x256xf32, #tpu.memory_space<hbm>> -> memref<1x1x256xf32, #tpu.memory_space<hbm>>
      %dma_wait3A_82 = tpu.memref_squeeze %dma_wait3A_81 : memref<1x1x256xf32, #tpu.memory_space<hbm>> -> memref<256xf32, #tpu.memory_space<hbm>>
      %dma_wait3A_83 = arith.constant 512 : i32
      %dma_wait3A_84 = tpu.memref_slice %arg10[%dma_wait3A_83] : memref<1536xf32, #tpu.memory_space<vmem>> -> memref<256xf32, #tpu.memory_space<vmem>>
      tpu.wait_dma2 semaphore(%run_scoped3A_65 : memref<!tpu.dma_semaphore, #tpu.memory_space<semaphore_mem>>) src(%dma_wait3A_84 : memref<256xf32, #tpu.memory_space<vmem>>) dst(%dma_wait3A_82 : memref<256xf32, #tpu.memory_space<hbm>>)
      tpu.yield
    }) : () -> ()
    %run_scoped3A_62 = arith.constant 3 : i32
    "tpu.region"() ({
      %run_scoped3A_65 = tpu.sem_alloc : memref<!tpu.dma_semaphore, #tpu.memory_space<semaphore_mem>>
      %dma_start3A_66 = arith.constant 768 : i32
      %dma_start3A_67 = tpu.memref_slice %arg10[%dma_start3A_66] : memref<1536xf32, #tpu.memory_space<vmem>> -> memref<256xf32, #tpu.memory_space<vmem>>
      %dma_start3A_68 = arith.constant 0 : i32
      %dma_start3A_69 = tpu.memref_slice %arg4[%run_scoped3A_62, %add3A, %dma_start3A_68] : memref<6x32x256xf32, #tpu.memory_space<hbm>> -> memref<1x1x256xf32, #tpu.memory_space<hbm>>
      %dma_start3A_70 = tpu.memref_squeeze %dma_start3A_69 : memref<1x1x256xf32, #tpu.memory_space<hbm>> -> memref<256xf32, #tpu.memory_space<hbm>>
      %dma_start3A_71 = arith.constant 0 : i32
      %dma_start3A_72 = tpu.memref_slice %arg4[%run_scoped3A_62, %add3A, %dma_start3A_71] : memref<6x32x256xf32, #tpu.memory_space<hbm>> -> memref<1x1x256xf32, #tpu.memory_space<hbm>>
      %dma_start3A_73 = tpu.memref_squeeze %dma_start3A_72 : memref<1x1x256xf32, #tpu.memory_space<hbm>> -> memref<256xf32, #tpu.memory_space<hbm>>
      %dma_start3A_74 = arith.constant 768 : i32
      %dma_start3A_75 = tpu.memref_slice %arg10[%dma_start3A_74] : memref<1536xf32, #tpu.memory_space<vmem>> -> memref<256xf32, #tpu.memory_space<vmem>>
      tpu.enqueue_dma source(%dma_start3A_75 : memref<256xf32, #tpu.memory_space<vmem>>) target(%dma_start3A_73 : memref<256xf32, #tpu.memory_space<hbm>>) target_semaphore(%run_scoped3A_65 : memref<!tpu.dma_semaphore, #tpu.memory_space<semaphore_mem>>)
      %dma_wait3A = arith.constant 768 : i32
      %dma_wait3A_76 = tpu.memref_slice %arg10[%dma_wait3A] : memref<1536xf32, #tpu.memory_space<vmem>> -> memref<256xf32, #tpu.memory_space<vmem>>
      %dma_wait3A_77 = arith.constant 0 : i32
      %dma_wait3A_78 = tpu.memref_slice %arg4[%run_scoped3A_62, %add3A, %dma_wait3A_77] : memref<6x32x256xf32, #tpu.memory_space<hbm>> -> memref<1x1x256xf32, #tpu.memory_space<hbm>>
      %dma_wait3A_79 = tpu.memref_squeeze %dma_wait3A_78 : memref<1x1x256xf32, #tpu.memory_space<hbm>> -> memref<256xf32, #tpu.memory_space<hbm>>
      %dma_wait3A_80 = arith.constant 0 : i32
      %dma_wait3A_81 = tpu.memref_slice %arg4[%run_scoped3A_62, %add3A, %dma_wait3A_80] : memref<6x32x256xf32, #tpu.memory_space<hbm>> -> memref<1x1x256xf32, #tpu.memory_space<hbm>>
      %dma_wait3A_82 = tpu.memref_squeeze %dma_wait3A_81 : memref<1x1x256xf32, #tpu.memory_space<hbm>> -> memref<256xf32, #tpu.memory_space<hbm>>
      %dma_wait3A_83 = arith.constant 768 : i32
      %dma_wait3A_84 = tpu.memref_slice %arg10[%dma_wait3A_83] : memref<1536xf32, #tpu.memory_space<vmem>> -> memref<256xf32, #tpu.memory_space<vmem>>
      tpu.wait_dma2 semaphore(%run_scoped3A_65 : memref<!tpu.dma_semaphore, #tpu.memory_space<semaphore_mem>>) src(%dma_wait3A_84 : memref<256xf32, #tpu.memory_space<vmem>>) dst(%dma_wait3A_82 : memref<256xf32, #tpu.memory_space<hbm>>)
      tpu.yield
    }) : () -> ()
    %run_scoped3A_63 = arith.constant 4 : i32
    "tpu.region"() ({
      %run_scoped3A_65 = tpu.sem_alloc : memref<!tpu.dma_semaphore, #tpu.memory_space<semaphore_mem>>
      %dma_start3A_66 = arith.constant 1024 : i32
      %dma_start3A_67 = tpu.memref_slice %arg10[%dma_start3A_66] : memref<1536xf32, #tpu.memory_space<vmem>> -> memref<256xf32, #tpu.memory_space<vmem>>
      %dma_start3A_68 = arith.constant 0 : i32
      %dma_start3A_69 = tpu.memref_slice %arg4[%run_scoped3A_63, %add3A, %dma_start3A_68] : memref<6x32x256xf32, #tpu.memory_space<hbm>> -> memref<1x1x256xf32, #tpu.memory_space<hbm>>
      %dma_start3A_70 = tpu.memref_squeeze %dma_start3A_69 : memref<1x1x256xf32, #tpu.memory_space<hbm>> -> memref<256xf32, #tpu.memory_space<hbm>>
      %dma_start3A_71 = arith.constant 0 : i32
      %dma_start3A_72 = tpu.memref_slice %arg4[%run_scoped3A_63, %add3A, %dma_start3A_71] : memref<6x32x256xf32, #tpu.memory_space<hbm>> -> memref<1x1x256xf32, #tpu.memory_space<hbm>>
      %dma_start3A_73 = tpu.memref_squeeze %dma_start3A_72 : memref<1x1x256xf32, #tpu.memory_space<hbm>> -> memref<256xf32, #tpu.memory_space<hbm>>
      %dma_start3A_74 = arith.constant 1024 : i32
      %dma_start3A_75 = tpu.memref_slice %arg10[%dma_start3A_74] : memref<1536xf32, #tpu.memory_space<vmem>> -> memref<256xf32, #tpu.memory_space<vmem>>
      tpu.enqueue_dma source(%dma_start3A_75 : memref<256xf32, #tpu.memory_space<vmem>>) target(%dma_start3A_73 : memref<256xf32, #tpu.memory_space<hbm>>) target_semaphore(%run_scoped3A_65 : memref<!tpu.dma_semaphore, #tpu.memory_space<semaphore_mem>>)
      %dma_wait3A = arith.constant 1024 : i32
      %dma_wait3A_76 = tpu.memref_slice %arg10[%dma_wait3A] : memref<1536xf32, #tpu.memory_space<vmem>> -> memref<256xf32, #tpu.memory_space<vmem>>
      %dma_wait3A_77 = arith.constant 0 : i32
      %dma_wait3A_78 = tpu.memref_slice %arg4[%run_scoped3A_63, %add3A, %dma_wait3A_77] : memref<6x32x256xf32, #tpu.memory_space<hbm>> -> memref<1x1x256xf32, #tpu.memory_space<hbm>>
      %dma_wait3A_79 = tpu.memref_squeeze %dma_wait3A_78 : memref<1x1x256xf32, #tpu.memory_space<hbm>> -> memref<256xf32, #tpu.memory_space<hbm>>
      %dma_wait3A_80 = arith.constant 0 : i32
      %dma_wait3A_81 = tpu.memref_slice %arg4[%run_scoped3A_63, %add3A, %dma_wait3A_80] : memref<6x32x256xf32, #tpu.memory_space<hbm>> -> memref<1x1x256xf32, #tpu.memory_space<hbm>>
      %dma_wait3A_82 = tpu.memref_squeeze %dma_wait3A_81 : memref<1x1x256xf32, #tpu.memory_space<hbm>> -> memref<256xf32, #tpu.memory_space<hbm>>
      %dma_wait3A_83 = arith.constant 1024 : i32
      %dma_wait3A_84 = tpu.memref_slice %arg10[%dma_wait3A_83] : memref<1536xf32, #tpu.memory_space<vmem>> -> memref<256xf32, #tpu.memory_space<vmem>>
      tpu.wait_dma2 semaphore(%run_scoped3A_65 : memref<!tpu.dma_semaphore, #tpu.memory_space<semaphore_mem>>) src(%dma_wait3A_84 : memref<256xf32, #tpu.memory_space<vmem>>) dst(%dma_wait3A_82 : memref<256xf32, #tpu.memory_space<hbm>>)
      tpu.yield
    }) : () -> ()
    %run_scoped3A_64 = arith.constant 5 : i32
    "tpu.region"() ({
      %run_scoped3A_65 = tpu.sem_alloc : memref<!tpu.dma_semaphore, #tpu.memory_space<semaphore_mem>>
      %dma_start3A_66 = arith.constant 1280 : i32
      %dma_start3A_67 = tpu.memref_slice %arg10[%dma_start3A_66] : memref<1536xf32, #tpu.memory_space<vmem>> -> memref<256xf32, #tpu.memory_space<vmem>>
      %dma_start3A_68 = arith.constant 0 : i32
      %dma_start3A_69 = tpu.memref_slice %arg4[%run_scoped3A_64, %add3A, %dma_start3A_68] : memref<6x32x256xf32, #tpu.memory_space<hbm>> -> memref<1x1x256xf32, #tpu.memory_space<hbm>>
      %dma_start3A_70 = tpu.memref_squeeze %dma_start3A_69 : memref<1x1x256xf32, #tpu.memory_space<hbm>> -> memref<256xf32, #tpu.memory_space<hbm>>
      %dma_start3A_71 = arith.constant 0 : i32
      %dma_start3A_72 = tpu.memref_slice %arg4[%run_scoped3A_64, %add3A, %dma_start3A_71] : memref<6x32x256xf32, #tpu.memory_space<hbm>> -> memref<1x1x256xf32, #tpu.memory_space<hbm>>
      %dma_start3A_73 = tpu.memref_squeeze %dma_start3A_72 : memref<1x1x256xf32, #tpu.memory_space<hbm>> -> memref<256xf32, #tpu.memory_space<hbm>>
      %dma_start3A_74 = arith.constant 1280 : i32
      %dma_start3A_75 = tpu.memref_slice %arg10[%dma_start3A_74] : memref<1536xf32, #tpu.memory_space<vmem>> -> memref<256xf32, #tpu.memory_space<vmem>>
      tpu.enqueue_dma source(%dma_start3A_75 : memref<256xf32, #tpu.memory_space<vmem>>) target(%dma_start3A_73 : memref<256xf32, #tpu.memory_space<hbm>>) target_semaphore(%run_scoped3A_65 : memref<!tpu.dma_semaphore, #tpu.memory_space<semaphore_mem>>)
      %dma_wait3A = arith.constant 1280 : i32
      %dma_wait3A_76 = tpu.memref_slice %arg10[%dma_wait3A] : memref<1536xf32, #tpu.memory_space<vmem>> -> memref<256xf32, #tpu.memory_space<vmem>>
      %dma_wait3A_77 = arith.constant 0 : i32
      %dma_wait3A_78 = tpu.memref_slice %arg4[%run_scoped3A_64, %add3A, %dma_wait3A_77] : memref<6x32x256xf32, #tpu.memory_space<hbm>> -> memref<1x1x256xf32, #tpu.memory_space<hbm>>
      %dma_wait3A_79 = tpu.memref_squeeze %dma_wait3A_78 : memref<1x1x256xf32, #tpu.memory_space<hbm>> -> memref<256xf32, #tpu.memory_space<hbm>>
      %dma_wait3A_80 = arith.constant 0 : i32
      %dma_wait3A_81 = tpu.memref_slice %arg4[%run_scoped3A_64, %add3A, %dma_wait3A_80] : memref<6x32x256xf32, #tpu.memory_space<hbm>> -> memref<1x1x256xf32, #tpu.memory_space<hbm>>
      %dma_wait3A_82 = tpu.memref_squeeze %dma_wait3A_81 : memref<1x1x256xf32, #tpu.memory_space<hbm>> -> memref<256xf32, #tpu.memory_space<hbm>>
      %dma_wait3A_83 = arith.constant 1280 : i32
      %dma_wait3A_84 = tpu.memref_slice %arg10[%dma_wait3A_83] : memref<1536xf32, #tpu.memory_space<vmem>> -> memref<256xf32, #tpu.memory_space<vmem>>
      tpu.wait_dma2 semaphore(%run_scoped3A_65 : memref<!tpu.dma_semaphore, #tpu.memory_space<semaphore_mem>>) src(%dma_wait3A_84 : memref<256xf32, #tpu.memory_space<vmem>>) dst(%dma_wait3A_82 : memref<256xf32, #tpu.memory_space<hbm>>)
      tpu.yield
    }) : () -> ()
    return
  }
}

module attributes {stable_mosaic.version = 14 : i64} {
  func.func @_tc_loss(%arg0: memref<6x32x256xf32, #tpu.memory_space<vmem>>, %arg1: memref<1x1xf32, #tpu.memory_space<vmem>>) attributes {dimension_semantics = [], scalar_prefetch = 0 : i64, scratch_operands = 0 : i64, tpu.core_type = #tpu.core_type<tc>} {
    %get3A = arith.constant 0 : index
    %get3A_0 = arith.constant 0 : index
    %get3A_1 = arith.constant 0 : index
    %get3A_2 = vector.load %arg0[%get3A, %get3A_0, %get3A_1] : memref<6x32x256xf32, #tpu.memory_space<vmem>>, vector<6x32x256xf32>
    %reduce_sum3A = arith.constant dense<0.000000e+00> : vector<6x256xf32>
    %reduce_sum3A_3 = vector.multi_reduction <add>, %get3A_2, %reduce_sum3A [1] : vector<6x32x256xf32> to vector<6x256xf32>
    %reduce_sum3A_4 = arith.constant dense<0.000000e+00> : vector<6xf32>
    %reduce_sum3A_5 = vector.multi_reduction <add>, %reduce_sum3A_3, %reduce_sum3A_4 [1] : vector<6x256xf32> to vector<6xf32>
    %broadcast_in_dim3A = vector.shape_cast %reduce_sum3A_5 : vector<6xf32> to vector<6x1xf32>
    %div3A = vector.broadcast %broadcast_in_dim3A : vector<6x1xf32> to vector<6x256xf32>
    %div3A_6 = arith.divf %reduce_sum3A_3, %div3A : vector<6x256xf32>
    %iota3A = tpu.iota {dimensions = array<i32: 0>} : vector<256x256xi32>
    %iota3A_7 = tpu.iota {dimensions = array<i32: 1>} : vector<256x256xi32>
    %le3A = arith.cmpi sle, %iota3A, %iota3A_7 : vector<256x256xi32>
    %convert_element_type3A = arith.extui %le3A : vector<256x256xi1> to vector<256x256xi32>
    %convert_element_type3A_8 = arith.sitofp %convert_element_type3A : vector<256x256xi32> to vector<256x256xf32>
    %dot_general3A = arith.constant dense<0.000000e+00> : vector<6x256xf32>
    %dot_general3A_9 = tpu.matmul %div3A_6, %convert_element_type3A_8, %dot_general3A {dimension_numbers = #tpu.dot_dimension_numbers<[1], [0], [0], [1], [0, 0, 1, 1], [], []>, precision = #tpu.contract_precision<fp32>, transpose_lhs_hint = false} : vector<6x256xf32>, vector<256x256xf32>, vector<6x256xf32> -> vector<6x256xf32>
    %slice3A = vector.extract_strided_slice %dot_general3A_9 {offsets = [0, 0], sizes = [3, 256], strides = [1, 1]} : vector<6x256xf32> to vector<3x256xf32>
    %slice3A_10 = vector.extract_strided_slice %dot_general3A_9 {offsets = [3, 0], sizes = [3, 256], strides = [1, 1]} : vector<6x256xf32> to vector<3x256xf32>
    %sub3A = arith.subf %slice3A, %slice3A_10 : vector<3x256xf32>
    %abs3A = math.absf %sub3A : vector<3x256xf32>
    %reduce_sum3A_11 = vector.shape_cast %abs3A : vector<3x256xf32> to vector<1x3x256xf32>
    %reduce_sum3A_12 = arith.constant dense<0.000000e+00> : vector<1xf32>
    %reduce_sum3A_13 = vector.multi_reduction <add>, %reduce_sum3A_11, %reduce_sum3A_12 [1, 2] : vector<1x3x256xf32> to vector<1xf32>
    %reduce_sum3A_14 = vector.shape_cast %reduce_sum3A_13 : vector<1xf32> to vector<1x1x1xf32>
    %reduce_sum3A_15 = vector.extract %reduce_sum3A_14[0, 0, 0] : f32 from vector<1x1x1xf32>
    %div3A_16 = arith.constant 3.000000e+00 : f32
    %div3A_17 = arith.divf %reduce_sum3A_15, %div3A_16 : f32
    %broadcast_in_dim3A_18 = vector.broadcast %div3A_17 : f32 to vector<1x1xf32>
    %swap3A = arith.constant 0 : index
    %swap3A_19 = arith.constant 0 : index
    %swap3A_20 = vector.load %arg1[%swap3A, %swap3A_19] : memref<1x1xf32, #tpu.memory_space<vmem>>, vector<1x1xf32>
    tpu.vector_store %arg1[%swap3A, %swap3A_19], %broadcast_in_dim3A_18 {strides = array<i32>} : memref<1x1xf32, #tpu.memory_space<vmem>>, vector<1x1xf32>,
    return
  }
}

</mosaic_0001>

<sc_bundles>
// kernel: kernel.4.cloned.1.call-start
scs
__scs_entry_jumppad:
0x0: {  	(pc) =	sbr.rel $0x88, $3  }
0x1: {  	(tag) =	ssettag $0x0;
	lr =	simm.s32 $0x1  }
0x2: {  	[smem:$0x3F9F] =	sst lr;
	_ =	strace $0xD0000000  }
0x3: {  	_ = 	snop  }
0x4: {  	_ = 	snop  }
0x5: {  	_ = 	snop  }
0x6: {  	_ = 	snop  }
0x7: {  	_ = 	snop  }
__scs_overlays_trampoline_lowered:
0x8: {  	[smem:$0x3FAE] =	sst s0  }
0x9: {  	[smem:$0x3FAF] =	sst s1  }
0xa: {  	[smem:$0x3FB0] =	sst s2  }
0xb: {  	[smem:$0x3FB1] =	sst s3  }
0xc: {  	[smem:$0x3FB2] =	sst s4  }
0xd: {  	[smem:$0x3FB3] =	sst s5  }
0xe: {  	[smem:$0x3FB4] =	sst s6  }
0xf: {  	[smem:$0x3FB5] =	sst s7  }
0x10: {  	[smem:$0x3FB6] =	sst s8  }
0x11: {  	[smem:$0x3FB7] =	sst s9;
	s0 =	simm.s32 @!p0 $0x0  }
0x12: {  	s1 =	sld [smem:$0x3F9D];
	s0 =	simm.s32 @p0 $0x1  }
0x13: {  	[smem:$0x3FB8] =	sst s0;
	s0 =	simm.s32 @!p1 $0x0  }
0x14: {  	s2 =	sld [smem:$0x3F9C];
	s0 =	simm.s32 @p1 $0x1  }
0x15: {  	[smem:$0x3FB9] =	sst s0;
	s0 =	simm.s32 @!p2 $0x0  }
0x16: {  	s3 =	sld [smem:$0x3FDB];
	s0 =	simm.s32 @p2 $0x1  }
0x17: {  	s4 =	simm.s32 $0x1BF5;
	[smem:$0x3FBB] =	sst s0  }
0x18: {  	s0 =	sld [smem:$0x3F9E];
	_ =	swait.ge [sflag:s4], $0x0  }
0x19: {  	s7 =	sld [smem:$0x3F9F]  }
0x1a: {  	s8 =	sadd.s32 $0xFFFFE003, lr  }
0x1b: {  	s9 =	sadd.s32 $0xFFFFFEF7, lr;
	s5 =	simm.s32 $0xFFFFFFFF;
	p2 =	slt.u32 s8, $0xFFFFF086  }
0x1c: {  	p1 =	slt.u32 s9, $0xF7A;
	s5 =	simm.s32 @!p2 $0x0  }
0x1d: {  	s5 =	simm.s32 @p1 $0x1;
	p0 =	seq.s32 s7, s2  }
0x1e: {  	s7 =	smul.u32 @!p0 $0xF7A, s2;
	p2 =	seq.s32 @!p0 s5, $0x0  }
0x1f: {  	s9 =	smul.u32 $0xF7A, s1;
	s8 =	simm.s32 @!p0 $0x1BF5;
	p2 =	por !p2, p0  }
0x20: {  	[sflag:s8] =	ssyncset.s32 @!p0 $0xFFFFF086;
	s6 =	sadd.s32 @!p0 s3, s7;
	s7 =	simm.s32 @!p0 $0x108  }
0x21: {  	s3 =	sadd.s32 s3, s9;
	s6 =	sadd.s32 @!p0 $0x88, s6;
	s7 =	simm.s32 @p2 $0x1082  }
0x22: {  	[simem:s7], [sflag:s8] =	dma.local @!p0 [hbm:s6], $0xF7A  }
0x23: {  	s9 =	sor.u32 $0xD0000000, s2;
	s6 =	simm.s32 $0x108;
	_ =	swait.ge @!p0 [sflag:s8], $0x0  }
0x24: {  	s3 =	sadd.s32 $0x88, s3;
	s6 =	simm.s32 @!p1 $0x1082;
	[sflag:s4] =	ssyncset.s32 $0xFFFFF086  }
0x25: {  	[simem:s6], [sflag:s4] =	dma.local [hbm:s3], $0xF7A  }
0x26: {  	[smem:$0x3F9F] =	sst s1;
	(tag) =	ssettag s2;
	_ =	strace s9  }
0x27: {  	s1 =	sld [smem:$0x3FAF]  }
0x28: {  	s2 =	sld [smem:$0x3FB0]  }
0x29: {  	s4 =	sld [smem:$0x3FB2]  }
0x2a: {  	p0 =	seq.s32 s5, $0x0;
	s5 =	sld [smem:$0x3FB3]  }
0x2b: {  	s6 =	sld [smem:$0x3FB4]  }
0x2c: {  	s7 =	sld [smem:$0x3FB5]  }
0x2d: {  	s3 =	simm.s32 $0x108;
	s8 =	sld [smem:$0x3FB6]  }
0x2e: {  	s3 =	simm.s32 @!p0 $0x1082;
	s9 =	sld [smem:$0x3FB7]  }
0x2f: {  	lr =	sadd.s32 s0, s3;
	s0 =	sld [smem:$0x3FAE]  }
0x30: {  	s3 =	sld [smem:$0x3FB1]  }
0x31: {  	[smem:$0x3FBA] =	sst s10  }
0x32: {  	s10 =	sld [smem:$0x3FB8];
	_ =	sdelay $0x3  }
0x33: {  	p0 =	seq.s32 s10, $0x1;
	s10 =	sld [smem:$0x3FBA];
	_ =	sdelay $0x3  }
0x34: {  	[smem:$0x3FBA] =	sst s10  }
0x35: {  	s10 =	sld [smem:$0x3FB9];
	_ =	sdelay $0x3  }
0x36: {  	p1 =	seq.s32 s10, $0x1;
	s10 =	sld [smem:$0x3FBA];
	_ =	sdelay $0x3  }
0x37: {  	[smem:$0x3FBA] =	sst s10  }
0x38: {  	s10 =	sld [smem:$0x3FBB]  }
0x39: {  	_ = 	snop;
	(pc) =	sbr.ind lr, $3  }
0x3a: {  	_ = 	snop  }
0x3b: {  	_ = 	snop  }
0x3c: {  	p2 =	seq.s32 s10, $0x1;
	s10 =	sld [smem:$0x3FBA]  }
0x3d: {  	_ =	shalt  }
0x3e: {  	_ =	shalt  }
0x3f: {  	_ =	shalt  }
0x40: {  	_ =	shalt  }
0x41: {  	_ =	shalt  }
0x42: {  	_ =	shalt  }
0x43: {  	_ =	shalt  }
0x44: {  	_ =	shalt  }
0x45: {  	_ =	shalt  }
0x46: {  	_ =	shalt  }
0x47: {  	_ =	shalt  }
0x48: {  	_ =	shalt  }
0x49: {  	_ =	shalt  }
0x4a: {  	_ =	shalt  }
0x4b: {  	_ =	shalt  }
0x4c: {  	_ =	shalt  }
0x4d: {  	_ =	shalt  }
0x4e: {  	_ =	shalt  }
0x4f: {  	_ =	shalt  }
0x50: {  	_ =	shalt  }
0x51: {  	_ =	shalt  }
0x52: {  	_ =	shalt  }
0x53: {  	_ =	shalt  }
0x54: {  	_ =	shalt  }
0x55: {  	_ =	shalt  }
0x56: {  	_ =	shalt  }
0x57: {  	_ =	shalt  }
0x58: {  	_ =	shalt  }
0x59: {  	_ =	shalt  }
0x5a: {  	_ =	shalt  }
0x5b: {  	_ =	shalt  }
0x5c: {  	_ =	shalt  }
0x5d: {  	_ =	shalt  }
0x5e: {  	_ =	shalt  }
0x5f: {  	_ =	shalt  }
0x60: {  	_ =	shalt  }
0x61: {  	_ =	shalt  }
0x62: {  	_ =	shalt  }
0x63: {  	_ =	shalt  }
0x64: {  	_ =	shalt  }
0x65: {  	_ =	shalt  }
0x66: {  	_ =	shalt  }
0x67: {  	_ =	shalt  }
0x68: {  	_ =	shalt  }
0x69: {  	_ =	shalt  }
0x6a: {  	_ =	shalt  }
0x6b: {  	_ =	shalt  }
0x6c: {  	_ =	shalt  }
0x6d: {  	_ =	shalt  }
0x6e: {  	_ =	shalt  }
0x6f: {  	_ =	shalt  }
0x70: {  	_ =	shalt  }
0x71: {  	_ =	shalt  }
0x72: {  	_ =	shalt  }
0x73: {  	_ =	shalt  }
0x74: {  	_ =	shalt  }
0x75: {  	_ =	shalt  }
0x76: {  	_ =	shalt  }
0x77: {  	_ =	shalt  }
0x78: {  	_ =	shalt  }
0x79: {  	_ =	shalt  }
0x7a: {  	_ =	shalt  }
0x7b: {  	_ =	shalt  }
0x7c: {  	_ =	shalt  }
0x7d: {  	_ =	shalt  }
0x7e: {  	_ =	shalt  }
0x7f: {  	_ =	shalt  }
0x80: {  	_ =	shalt  }
0x81: {  	_ =	shalt  }
0x82: {  	_ =	shalt  }
0x83: {  	_ =	shalt  }
0x84: {  	_ =	shalt  }
0x85: {  	_ =	shalt  }
0x86: {  	_ =	shalt  }
0x87: {  	_ =	shalt  }
.Lfunc_end0:
.L_simem_size_0:
called_computation_lowered:
.L_overlay_start_0:
0x88: {  	s2 =	sld [smem:$0x3FD9]  }
0x89: {  	s3 =	sld [smem:$0x3FFE];
	_ =	sdelay $0x1  }
0x8a: {  	s1 =	srdreg.scid  }
0x8b: {  	s0 =	sand.u32 $0x1, s1  }
0x8c: {  	s17 =	sshll.u32 s0, $0xA;
	s2 =	sadd.s32 s3, s2  }
0x8d: {  	s2 =	sadd.s32 s2, s17  }
0x8e: {  	[smem:$0x3FC6] =	sst s2  }
0x8f: {  	_ = 	snop  }
0x90: {  	s2 =	sld [smem:$0x3FC9]  }
0x91: {  	s18 =	sld [smem:$0x3FC8];
	(tm) =	ssettm $0x1  }
0x92: {  	s4 =	sld [smem:$0x3FFB];
	_ =	sdelay $0x3  }
0x93: {  	_ =	strace s4  }
0x94: {  	s4 =	sld [smem:$0x3FFC];
	_ =	sdelay $0x3  }
0x95: {  	_ =	strace s4  }
0x96: {  	s4 =	sld [smem:$0x3FFD];
	_ =	sdelay $0x3  }
0x97: {  	_ =	strace s4  }
0x98: {  	_ =	strace $0x8FFFFFFF  }
0x99: {  	s19 =	sld [smem:$0x3FDB];
	_ =	sdelay $0x1  }
0x9a: {  	s5 =	simm.s32 $_scs_section_size  }
0x9b: {  	s6 =	simm.s32 $_size__tile_overlayer_lowered;
	s7 =	simm.s32 $_tile_overlayer_lowered  }
0x9c: {  	s22 =	simm.s32 $0x1BFF;
	s21 =	sshll.u32 s7, $0x1;
	s4 =	sadd.s32 s5, s19  }
0x9d: {  	s8 =	simm.s32 $0x0;
	s20 =	sshll.u32 s6, $0x1;
	s6 =	sadd.s32 s21, s4  }
0x9e: {  	[timem:s8], [sflag:s22] =	dma.local [hbm:s6], s20  }
0x9f: {  	_ =	swait.ge [sflag:s22], s20  }
0xa0: {  	s5 =	ssub.s32 $0x0, s20;
	[sflag:s22] =	ssyncset.done $0x0  }
0xa1: {  	[sflag:s22] =	ssyncadd.s32 s5;
	_ =	sdelay $0x1  }
0xa2: {  	s23 =	simm.s32 $0x1B8B  }
0xa3: {  	_ =	swait.ge [sflag:s23], $0x1  }
0xa4: {  	[sflag:s23] =	ssyncset.done $0x0  }
0xa5: {  	s25 =	simm.s32 $0x1B8E;
	s24 =	sld [smem:$0x3FFE];
	[sflag:s23] =	ssyncadd.s32 $0xFFFFFFFF  }
0xa6: {  	s26 =	simm.s32 $execute0_lowered;
	[smem:$0x3FD2] =	sst s25  }
0xa7: {  	s6 =	sshll.u32 s26, $0x1;
	_ =	strace $0x80000046;
	[dreg:$0x1] =	wrdreg $0xFFFFFFFF  }
0xa8: {  	s28 =	simm.s32 $_size_execute0_lowered;
	s4 =	sadd.s32 s4, s6;
	[dreg:$0x0] =	wrdreg $0x0  }
0xa9: {  	s6 =	sshll.u32 s28, $0x1;
	[dreg:$0x2] =	wrdreg s4  }
0xaa: {  	[dreg:$0x3] =	wrdreg s6  }
0xab: {  	[dreg:$0x4] =	wrdreg $0xC0  }
0xac: {  	_ =	task [dreg:s8], $0x5FFFF  }
0xad: {  	[dreg:$0x1] =	wrdreg $0xFFFFFFFF  }
0xae: {  	[dreg:$0x0] =	wrdreg $0x60  }
0xaf: {  	[dreg:$0x2] =	wrdreg s2  }
0xb0: {  	[dreg:$0x3] =	wrdreg s18  }
0xb1: {  	[dreg:$0x4] =	wrdreg s24  }
0xb2: {  	[dreg:$0x5] =	wrdreg $0x9  }
0xb3: {  	_ =	task.clear_ibuf [dreg:s8], $0x6FFFF;
	_ =	strace $0x90000046  }
0xb4: {  	s29 =	simm.s32 $0x9;
	_ =	strace $0x80000048  }
0xb5: {  	_ =	swait.ge [sflag:s29], $0x1  }
0xb6: {  	[sflag:s29] =	ssyncadd.s32 $0xFFFFFFFF  }
0xb7: {  	_ =	strace $0x90000048  }
0xb8: {  	_ =	sfence  }
0xb9: {  	s30 =	sld [smem:$0x0];
	_ =	sdelay $0x2  }
0xba: {  	s31 =	sshll.u32 s1, $0xD;
	s1 =	sshrl.u32 s1, $0x2  }
0xbb: {  	s3 =	sand.u32 $0x4000, s31;
	s1 =	sadd.s32 s1, s30  }
0xbc: {  	s0 =	sor.u32 s3, s0;
	s1 =	sshll.u32 s1, $0x11  }
0xbd: {  	s0 =	sor.u32 s1, s0  }
0xbe: {  	s0 =	sadd.s32 $0x8F2B, s0  }
0xbf: {  	[sflag:s0] =	ssyncadd.remote.s32 $0x1  }
0xc0: {  	_ =	sfence.sel $0xFFFF  }
0xc1: {  	[dreg:$0x0] =	wrdreg $0xFFFFFFFF;
	(pc) =	sbr.abs _section_cstart, $3  }
0xc2: {  	[dreg:$0x1] =	wrdreg $0xFFFFFFFF  }
0xc3: {  	_ =	task.clear_ibuf [dreg:s8], $0x2FFFF;
	_ =	strace $0x9FFFFFFF  }
0xc4: {  	(tm) =	ssettm $0x7FFFFFFF  }
0xc5: {  	_ =	shalt  }
tec
execute0_lowered:
.L_overlay_start_1:
0x0: {  	(tag) =	ssettag $0x1  }
0x1: {  	s1 =	rddreg [dreg:$0x0]  }
0x2: {  	s3 =	rddreg [dreg:$0x1]  }
0x3: {  	s0 =	rddreg [dreg:$0x2]  }
0x4: {  	s2 =	srdreg.scid;
	s6 =	stileid.u32;
	s4 =	simm.s32 $0x0  }
0x5: {  	s17 =	simm.s32 $0x4000;
	s19 =	simm.s32 $0xC000;
	s20 =	simm.s32 $0x1  }
0x6: {  	s21 =	simm.s32 $0x10000;
	s22 =	simm.s32 $0x2;
	s23 =	simm.s32 $0x3  }
0x7: {  	s24 =	simm.s32 $0x4;
	s29 =	simm.s32 $0x5;
	s28 =	simm.s32 $0x0  }
0x8: {  	s2 =	sand.u32 $0x1, s2;
	s5 =	sshll.u32 s6, $0x1;
	[smem:$0x7FF] =	sst s4  }
0x9: {  	s6 =	sshll.u32 s6, $0x6;
	s5 =	sor.u32 s2, s5;
	_ =	strace $0x80000047  }
0xa: {  	s2 =	ssub.s32 $0x2, s2;
	s7 =	sshll.u32 s5, $0x4;
	s5 =	smul.u32 $0xC0000, s5  }
0xb: {  	s6 =	sand.u32 $0x300, s6;
	s25 =	sshrl.u32 s2, $0x1;
	s7 =	sand.u32 $0x70, s7  }
0xc: {  	s2 =	ssub.s32 s2, s25;
	s25 =	simm.s32 $0x80;
	s8 =	sshrl.u32 s5, $0x3  }
0xd: {  	s6 =	sor.u32 s6, s7;
	s16 =	smax.u32 s2, $0x1;
	s26 =	sadd.s32 s1, s8  }
0xe: {  	s9 =	sor.u32 $0x800, s8;
	s31 =	sadd.s32 s3, s8;
	[dreg:$0x4] =	wrdreg s26  }
0xf: {  	v0 =	vlaneseq.u32;
	s0 =	sadd.s32 s6, s0;
	s30 =	sadd.s32 s1, s9;
	[dreg:$0x6] =	wrdreg s31  }
0x10: {  	v1 =	vmul.u32 $0x100, v0;
	s9 =	sadd.s32 s3, s9;
	s10 =	sadd.s32 $0x600, s0;
	s11 =	sadd.s32 $0xA00, s0  }
0x11: {  	s12 =	sadd.s32 $0xE00, s0;
	s13 =	sadd.s32 $0x1200, s0;
	s14 =	sadd.s32 $0x1600, s0  }
0x12: {  	v2 =	vimm.f32 $1.000000000e+00;
	v0 =	vimm.f32 $0.0e+00;
	v1 =	vadd.s32 $0xFFFF8100, v1;
	s15 =	sadd.s32 $0x1A00, s0;
	s26 =	simm.s32 $0x400;
	[dreg:$0x5] =	wrdreg s30  }
.LBB2_1:
0x13: {  	s0 =	rddreg [dreg:$0x4]  }
0x14: {  	[tilespmem:s4], [sflag:$0x1] =	stream.linear.gather [hbm4b:s0+s4], $0x4000, $0x38;
	[tilespmem:$0x16600] =	vst v63  }
0x15: {  	s30 =	rddreg [dreg:$0x5]  }
0x16: {  	[tilespmem:s17], [sflag:$0x2] =	stream.linear.gather [hbm4b:s30+s4], $0x4000, $0x38;
	[tilespmem:$0x16600] =	vst v63  }
0x17: {  	s31 =	rddreg [dreg:$0x6];
	s2 =	simm.s32 $0x8000  }
0x18: {  	[tilespmem:s2], [sflag:$0x3] =	stream.linear.gather [hbm4b:s31+s4], $0x4000, $0x38;
	[tilespmem:$0x16600] =	vst v63  }
0x19: {  	s0 =	simm.s32 $0x10020  }
0x1a: {  	[tilespmem:s19], [sflag:$0x4] =	stream.linear.gather [hbm4b:s9+s4], $0x4000, $0x38;
	[tilespmem:$0x16600] =	vst v63  }
0x1b: {  	[tilespmem:s0+$0xFFFFFFE0] =	vst v0  }
0x1c: {  	[tilespmem:s0+$0x10] =	vst v0  }
0x1d: {  	s2 =	simm.s32 $0x0;
	[tilespmem:s0+$0x0] =	vst v0  }
.LBB2_2:
0x1e: {  	s2 =	sadd.s32 $0x4, s2  }
0x1f: {  	[tilespmem:s0+$0xFFFFFFF0] =	vst v0;
	s0 =	sadd.s32 $0x40, s0;
	p0 =	slt.u32 s2, $0x5FC  }
.Ltmp0:
0x20: {  	[tilespmem:s0+$0xFFFFFFE0] =	vst v0;
	(pc) =	sbr.rel @p0 .LBB2_2-.Ltmp0, $3  }
0x21: {  	_ =	sdelay $0x1  }
0x22: {  	[tilespmem:s0+$0x10] =	vst v0  }
0x23: {  	[tilespmem:s0+$0x0] =	vst v0  }
0x24: {  	[tilespmem:s0+$0xFFFFFFF0] =	vst v0;
	s31 =	simm.s32 $0x0;
	s0 =	simm.s32 $0x0  }
.LBB2_4:
0x25: {  	_ =	swait.ge [sflag:s20], $0x4000;
	s2 =	simm.s32 $0x0  }
0x26: {  	s6 =	sand.u32 $0xC00, s31;
	s18 =	simm.s32 $0x0;
	s2 =	sand.u32 $0x3000, s2  }
0x27: {  	[sflag:s20] =	ssyncset.done $0x0;
	s18 =	sand.u32 $0x380, s18;
	s2 =	sor.u32 s6, s2  }
0x28: {  	[sflag:s20] =	ssyncadd.s32 $0xFFFFC000;
	s2 =	sor.u32 s18, s2  }
0x29: {  	v3 =	vld [tilespmem:s2+$0x70]  }
0x2a: {  	v4 =	vld [tilespmem:s2+$0x0]  }
0x2b: {  	v5 =	vld [tilespmem:s2+$0x10];
	_ =	sdelay $0x2  }
0x2c: {  	s18 =	sshll.u32 s0, $0x9;
	v6 =	vadd.f32 $1.000000000e+00, v3  }
0x2d: {  	s6 =	sand.u32 $0x3000, s18;
	v4 =	vadd.f32 $1.000000000e+00, v4  }
0x2e: {  	v3 =	vadd.s32 s6, v1;
	v5 =	vadd.f32 $1.000000000e+00, v5;
	v6 =	vshra.s32 v6, $0xF  }
0x2f: {  	v7 =	vld [tilespmem:s2+$0x20];
	v4 =	vshra.s32 v4, $0xF;
	v6 =	vadd.s32 v3, v6  }
0x30: {  	v8 =	vld [tilespmem:s2+$0x30];
	v5 =	vshra.s32 v5, $0xF;
	v4 =	vadd.s32 v3, v4  }
0x31: {  	v9 =	vld [tilespmem:s2+$0x40];
	v5 =	vadd.s32 v3, v5  }
0x32: {  	v10 =	vld [tilespmem:s2+$0x50]  }
0x33: {  	s7 =	simm.s32 $0x80;
	v11 =	vld [tilespmem:s2+$0x60];
	s2 =	simm.s32 $0x400  }
0x34: {  	s30 =	simm.s32 $0x20;
	s8 =	sand.u32 $0xC00, s2;
	s6 =	sand.u32 $0x3000, s7;
	[tilespmem:v6+s21+$0x0] =	vst.idx.add.f32.msk $0xffff, v2  }
0x35: {  	s30 =	sand.u32 $0x380, s30;
	s6 =	sor.u32 s8, s6;
	[tilespmem:v4+s21+$0x0] =	vst.idx.add.f32.msk $0xffff, v2  }
0x36: {  	s6 =	sor.u32 s30, s6;
	[tilespmem:v5+s21+$0x0] =	vst.idx.add.f32.msk $0xffff, v2  }
0x37: {  	v4 =	vadd.f32 $1.000000000e+00, v7;
	v5 =	vld [tilespmem:s6+$0x70]  }
0x38: {  	v6 =	vadd.f32 $1.000000000e+00, v8;
	v7 =	vld [tilespmem:s6+$0x0]  }
0x39: {  	v8 =	vadd.f32 $1.000000000e+00, v9;
	v9 =	vld [tilespmem:s6+$0x10];
	v4 =	vshra.s32 v4, $0xF  }
0x3a: {  	v13 =	vld [tilespmem:s6+$0x20];
	v12 =	vadd.s32 v3, v4;
	v4 =	vshra.s32 v6, $0xF;
	v6 =	vadd.f32 $1.000000000e+00, v10  }
0x3b: {  	v14 =	vadd.s32 v3, v4;
	v4 =	vshra.s32 v8, $0xF;
	v8 =	vadd.f32 $1.000000000e+00, v11;
	v11 =	vld [tilespmem:s6+$0x30]  }
0x3c: {  	v16 =	vld [tilespmem:s6+$0x40];
	v15 =	vadd.s32 v3, v4;
	v4 =	vshra.s32 v6, $0xF;
	v6 =	vadd.f32 $1.000000000e+00, v5  }
0x3d: {  	v10 =	vld [tilespmem:s6+$0x50];
	v7 =	vadd.f32 $1.000000000e+00, v7;
	v5 =	vadd.s32 v3, v4;
	v4 =	vshra.s32 v8, $0xF  }
0x3e: {  	v8 =	vadd.f32 $1.000000000e+00, v9;
	v9 =	vld [tilespmem:s6+$0x60];
	v4 =	vadd.s32 v3, v4;
	v6 =	vshra.s32 v6, $0xF  }
0x3f: {  	v13 =	vadd.f32 $1.000000000e+00, v13;
	v7 =	vshra.s32 v7, $0xF;
	v6 =	vadd.s32 v3, v6;
	[tilespmem:v12+s21+$0x0] =	vst.idx.add.f32.msk $0xffff, v2  }
0x40: {  	v7 =	vadd.s32 v3, v7;
	v8 =	vshra.s32 v8, $0xF;
	v12 =	vadd.f32 $1.000000000e+00, v11;
	[tilespmem:v14+s21+$0x0] =	vst.idx.add.f32.msk $0xffff, v2  }
0x41: {  	s30 =	simm.s32 $0x8;
	v13 =	vshra.s32 v13, $0xF;
	v8 =	vadd.s32 v3, v8;
	v11 =	vadd.f32 $1.000000000e+00, v16;
	[tilespmem:v15+s21+$0x0] =	vst.idx.add.f32.msk $0xffff, v2  }
.LBB2_5:
0x42: {  	s30 =	sadd.s32 $0x8, s30;
	v13 =	vadd.s32 v3, v13;
	v12 =	vshra.s32 v12, $0xF;
	v10 =	vadd.f32 $1.000000000e+00, v10;
	[tilespmem:v5+s21+$0x0] =	vst.idx.add.f32.msk $0xffff, v2  }
0x43: {  	s2 =	sadd.s32 $0x400, s2;
	s6 =	sshll.u32 s30, $0x4;
	p0 =	slt.u32 s30, $0x3F8;
	v14 =	vadd.s32 v3, v12;
	v5 =	vshra.s32 v11, $0xF;
	v9 =	vadd.f32 $1.000000000e+00, v9;
	[tilespmem:v4+s21+$0x0] =	vst.idx.add.f32.msk $0xffff, v2  }
0x44: {  	s18 =	sand.u32 $0xC00, s2;
	s7 =	sshll.u32 s30, $0x2;
	s6 =	sand.u32 $0x3000, s6;
	v15 =	vadd.s32 v3, v5;
	v4 =	vshra.s32 v10, $0xF;
	[tilespmem:v6+s21+$0x0] =	vst.idx.add.f32.msk $0xffff, v2  }
0x45: {  	s7 =	sand.u32 $0x380, s7;
	s6 =	sor.u32 s18, s6;
	[tilespmem:v7+s21+$0x0] =	vst.idx.add.f32.msk $0xffff, v2;
	v5 =	vadd.s32 v3, v4;
	v4 =	vshra.s32 v9, $0xF  }
0x46: {  	s6 =	sor.u32 s7, s6;
	[tilespmem:v8+s21+$0x0] =	vst.idx.add.f32.msk $0xffff, v2;
	v4 =	vadd.s32 v3, v4  }
0x47: {  	v6 =	vld [tilespmem:s6+$0x70]  }
0x48: {  	v7 =	vld [tilespmem:s6+$0x0]  }
0x49: {  	v8 =	vld [tilespmem:s6+$0x10]  }
0x4a: {  	v11 =	vld [tilespmem:s6+$0x20]  }
0x4b: {  	v12 =	vld [tilespmem:s6+$0x30]  }
0x4c: {  	v16 =	vld [tilespmem:s6+$0x40];
	v6 =	vadd.f32 $1.000000000e+00, v6  }
.Ltmp1:
0x4d: {  	v7 =	vadd.f32 $1.000000000e+00, v7;
	v10 =	vld [tilespmem:s6+$0x50];
	(pc) =	sbr.rel @p0 .LBB2_5-.Ltmp1, $4  }
0x4e: {  	v8 =	vadd.f32 $1.000000000e+00, v8;
	v9 =	vld [tilespmem:s6+$0x60];
	v6 =	vshra.s32 v6, $0xF  }
0x4f: {  	v7 =	vshra.s32 v7, $0xF;
	v11 =	vadd.f32 $1.000000000e+00, v11;
	v6 =	vadd.s32 v3, v6;
	[tilespmem:v13+s21+$0x0] =	vst.idx.add.f32.msk $0xffff, v2  }
0x50: {  	v7 =	vadd.s32 v3, v7;
	v8 =	vshra.s32 v8, $0xF;
	v12 =	vadd.f32 $1.000000000e+00, v12;
	[tilespmem:v14+s21+$0x0] =	vst.idx.add.f32.msk $0xffff, v2  }
0x51: {  	v8 =	vadd.s32 v3, v8;
	v13 =	vshra.s32 v11, $0xF;
	v11 =	vadd.f32 $1.000000000e+00, v16;
	[tilespmem:v15+s21+$0x0] =	vst.idx.add.f32.msk $0xffff, v2  }
0x52: {  	_ =	sdelay $0x3  }
0x53: {  	v13 =	vadd.s32 v3, v13;
	v12 =	vshra.s32 v12, $0xF;
	v10 =	vadd.f32 $1.000000000e+00, v10;
	[tilespmem:v5+s21+$0x0] =	vst.idx.add.f32.msk $0xffff, v2  }
0x54: {  	[tilespmem:v4+s21+$0x0] =	vst.idx.add.f32.msk $0xffff, v2;
	v5 =	vadd.s32 v3, v12;
	v11 =	vshra.s32 v11, $0xF;
	v9 =	vadd.f32 $1.000000000e+00, v9  }
0x55: {  	[tilespmem:v6+s21+$0x0] =	vst.idx.add.f32.msk $0xffff, v2;
	v4 =	vadd.s32 v3, v11;
	v10 =	vshra.s32 v10, $0xF  }
0x56: {  	[tilespmem:v7+s21+$0x0] =	vst.idx.add.f32.msk $0xffff, v2;
	s2 =	sshll.u32 s0, $0xF;
	p0 =	seq.s32 s0, $0x17;
	v6 =	vadd.s32 v3, v10;
	v7 =	vshra.s32 v9, $0xF  }
0x57: {  	[tilespmem:v8+s21+$0x0] =	vst.idx.add.f32.msk $0xffff, v2;
	s6 =	sadd.s32 @!p0 $0x8000, s2;
	v7 =	vadd.s32 v3, v7  }
0x58: {  	s7 =	sand.u32 @!p0 $0x1C0000, s6;
	[tilespmem:v13+s21+$0x0] =	vst.idx.add.f32.msk $0xffff, v2  }
0x59: {  	s6 =	sand.u32 @!p0 $0x38000, s6;
	s7 =	sadd.s32 @!p0 s5, s7;
	[tilespmem:v5+s21+$0x0] =	vst.idx.add.f32.msk $0xffff, v2  }
0x5a: {  	s6 =	sor.u32 @!p0 s6, s7;
	[tilespmem:v4+s21+$0x0] =	vst.idx.add.f32.msk $0xffff, v2  }
0x5b: {  	s6 =	sshrl.u32 @!p0 s6, $0x3;
	[tilespmem:v6+s21+$0x0] =	vst.idx.add.f32.msk $0xffff, v2  }
0x5c: {  	s18 =	simm.s32 $0x0;
	s7 =	simm.s32 @!p0 $0x0;
	s6 =	sadd.s32 @!p0 s1, s6;
	[tilespmem:v7+s21+$0x0] =	vst.idx.add.f32.msk $0xffff, v2  }
0x5d: {  	[tilespmem:s7], [sflag:$0x1] =	stream.linear.gather @!p0 [hbm4b:s6+s7], $0x4000, $0x38;
	[tilespmem:$0x16600] =	vst v63  }
0x5e: {  	s8 =	simm.s32 $0x0;
	s7 =	sand.u32 $0x3000, s18  }
0x5f: {  	s6 =	sand.u32 $0xC00, s8;
	s18 =	simm.s32 $0x0;
	_ =	swait.ge [sflag:s22], $0x4000  }
0x60: {  	s18 =	sand.u32 $0x380, s18;
	s6 =	sor.u32 s6, s7;
	[sflag:s22] =	ssyncset.done $0x0  }
0x61: {  	s6 =	sor.u32 s18, s6;
	[sflag:s22] =	ssyncadd.s32 $0xFFFFC000  }
0x62: {  	v4 =	vld [tilespmem:s6+$0x4070]  }
0x63: {  	v5 =	vld [tilespmem:s6+$0x4000]  }
0x64: {  	v6 =	vld [tilespmem:s6+$0x4010];
	_ =	sdelay $0x2  }
0x65: {  	v4 =	vadd.f32 $1.000000000e+00, v4  }
0x66: {  	v5 =	vadd.f32 $1.000000000e+00, v5  }
0x67: {  	v6 =	vadd.f32 $1.000000000e+00, v6;
	v4 =	vshra.s32 v4, $0xF  }
0x68: {  	v7 =	vld [tilespmem:s6+$0x4020];
	v5 =	vshra.s32 v5, $0xF;
	v4 =	vadd.s32 v3, v4  }
0x69: {  	v8 =	vld [tilespmem:s6+$0x4030];
	v6 =	vshra.s32 v6, $0xF;
	v5 =	vadd.s32 v3, v5  }
0x6a: {  	v9 =	vld [tilespmem:s6+$0x4040];
	v6 =	vadd.s32 v3, v6  }
0x6b: {  	v10 =	vld [tilespmem:s6+$0x4050]  }
0x6c: {  	s30 =	simm.s32 $0x400;
	s7 =	simm.s32 $0x80;
	v11 =	vld [tilespmem:s6+$0x4060]  }
0x6d: {  	s8 =	simm.s32 $0x20;
	s6 =	sand.u32 $0x3000, s7;
	s7 =	sand.u32 $0xC00, s30;
	[tilespmem:v4+s21+$0x0] =	vst.idx.add.f32.msk $0xffff, v2  }
0x6e: {  	s18 =	sand.u32 $0x380, s8;
	s6 =	sor.u32 s7, s6;
	[tilespmem:v5+s21+$0x0] =	vst.idx.add.f32.msk $0xffff, v2  }
0x6f: {  	s6 =	sor.u32 s18, s6;
	[tilespmem:v6+s21+$0x0] =	vst.idx.add.f32.msk $0xffff, v2  }
0x70: {  	v4 =	vadd.f32 $1.000000000e+00, v7;
	v5 =	vld [tilespmem:s6+$0x4070]  }
0x71: {  	v6 =	vadd.f32 $1.000000000e+00, v8;
	v7 =	vld [tilespmem:s6+$0x4000]  }
0x72: {  	v8 =	vadd.f32 $1.000000000e+00, v9;
	v9 =	vld [tilespmem:s6+$0x4010];
	v4 =	vshra.s32 v4, $0xF  }
0x73: {  	v13 =	vld [tilespmem:s6+$0x4020];
	v12 =	vadd.s32 v3, v4;
	v4 =	vshra.s32 v6, $0xF;
	v6 =	vadd.f32 $1.000000000e+00, v10  }
0x74: {  	v14 =	vadd.s32 v3, v4;
	v4 =	vshra.s32 v8, $0xF;
	v8 =	vadd.f32 $1.000000000e+00, v11;
	v11 =	vld [tilespmem:s6+$0x4030]  }
0x75: {  	v16 =	vld [tilespmem:s6+$0x4040];
	v15 =	vadd.s32 v3, v4;
	v4 =	vshra.s32 v6, $0xF;
	v6 =	vadd.f32 $1.000000000e+00, v5  }
0x76: {  	v10 =	vld [tilespmem:s6+$0x4050];
	v7 =	vadd.f32 $1.000000000e+00, v7;
	v5 =	vadd.s32 v3, v4;
	v4 =	vshra.s32 v8, $0xF  }
0x77: {  	v8 =	vadd.f32 $1.000000000e+00, v9;
	v9 =	vld [tilespmem:s6+$0x4060];
	v4 =	vadd.s32 v3, v4;
	v6 =	vshra.s32 v6, $0xF  }
0x78: {  	v13 =	vadd.f32 $1.000000000e+00, v13;
	v7 =	vshra.s32 v7, $0xF;
	v6 =	vadd.s32 v3, v6;
	[tilespmem:v12+s21+$0x0] =	vst.idx.add.f32.msk $0xffff, v2  }
0x79: {  	v7 =	vadd.s32 v3, v7;
	v8 =	vshra.s32 v8, $0xF;
	v12 =	vadd.f32 $1.000000000e+00, v11;
	[tilespmem:v14+s21+$0x0] =	vst.idx.add.f32.msk $0xffff, v2  }
0x7a: {  	s18 =	simm.s32 $0x8;
	v13 =	vshra.s32 v13, $0xF;
	v8 =	vadd.s32 v3, v8;
	v11 =	vadd.f32 $1.000000000e+00, v16;
	[tilespmem:v15+s21+$0x0] =	vst.idx.add.f32.msk $0xffff, v2  }
.LBB2_7:
0x7b: {  	s18 =	sadd.s32 $0x8, s18;
	v13 =	vadd.s32 v3, v13;
	v12 =	vshra.s32 v12, $0xF;
	v10 =	vadd.f32 $1.000000000e+00, v10;
	[tilespmem:v5+s21+$0x0] =	vst.idx.add.f32.msk $0xffff, v2  }
0x7c: {  	s30 =	sadd.s32 $0x400, s30;
	s6 =	sshll.u32 s18, $0x4;
	p1 =	slt.u32 s18, $0x3F8;
	v14 =	vadd.s32 v3, v12;
	v5 =	vshra.s32 v11, $0xF;
	v9 =	vadd.f32 $1.000000000e+00, v9;
	[tilespmem:v4+s21+$0x0] =	vst.idx.add.f32.msk $0xffff, v2  }
0x7d: {  	s7 =	sand.u32 $0xC00, s30;
	s8 =	sshll.u32 s18, $0x2;
	s6 =	sand.u32 $0x3000, s6;
	v15 =	vadd.s32 v3, v5;
	v4 =	vshra.s32 v10, $0xF;
	[tilespmem:v6+s21+$0x0] =	vst.idx.add.f32.msk $0xffff, v2  }
0x7e: {  	s8 =	sand.u32 $0x380, s8;
	s6 =	sor.u32 s7, s6;
	[tilespmem:v7+s21+$0x0] =	vst.idx.add.f32.msk $0xffff, v2;
	v5 =	vadd.s32 v3, v4;
	v4 =	vshra.s32 v9, $0xF  }
0x7f: {  	s6 =	sor.u32 s8, s6;
	[tilespmem:v8+s21+$0x0] =	vst.idx.add.f32.msk $0xffff, v2;
	v4 =	vadd.s32 v3, v4  }
0x80: {  	v6 =	vld [tilespmem:s6+$0x4070]  }
0x81: {  	v7 =	vld [tilespmem:s6+$0x4000]  }
0x82: {  	v8 =	vld [tilespmem:s6+$0x4010]  }
0x83: {  	v11 =	vld [tilespmem:s6+$0x4020]  }
0x84: {  	v12 =	vld [tilespmem:s6+$0x4030]  }
0x85: {  	v16 =	vld [tilespmem:s6+$0x4040];
	v6 =	vadd.f32 $1.000000000e+00, v6  }
.Ltmp2:
0x86: {  	v7 =	vadd.f32 $1.000000000e+00, v7;
	v10 =	vld [tilespmem:s6+$0x4050];
	(pc) =	sbr.rel @p1 .LBB2_7-.Ltmp2, $4  }
0x87: {  	v8 =	vadd.f32 $1.000000000e+00, v8;
	v9 =	vld [tilespmem:s6+$0x4060];
	v6 =	vshra.s32 v6, $0xF  }
0x88: {  	v7 =	vshra.s32 v7, $0xF;
	v11 =	vadd.f32 $1.000000000e+00, v11;
	v6 =	vadd.s32 v3, v6;
	[tilespmem:v13+s21+$0x0] =	vst.idx.add.f32.msk $0xffff, v2  }
0x89: {  	v7 =	vadd.s32 v3, v7;
	v8 =	vshra.s32 v8, $0xF;
	v12 =	vadd.f32 $1.000000000e+00, v12;
	[tilespmem:v14+s21+$0x0] =	vst.idx.add.f32.msk $0xffff, v2  }
0x8a: {  	v8 =	vadd.s32 v3, v8;
	v13 =	vshra.s32 v11, $0xF;
	v11 =	vadd.f32 $1.000000000e+00, v16;
	[tilespmem:v15+s21+$0x0] =	vst.idx.add.f32.msk $0xffff, v2  }
0x8b: {  	_ =	sdelay $0x3  }
0x8c: {  	v13 =	vadd.s32 v3, v13;
	v12 =	vshra.s32 v12, $0xF;
	v10 =	vadd.f32 $1.000000000e+00, v10;
	[tilespmem:v5+s21+$0x0] =	vst.idx.add.f32.msk $0xffff, v2  }
0x8d: {  	[tilespmem:v4+s21+$0x0] =	vst.idx.add.f32.msk $0xffff, v2;
	v60 =	vadd.s32 v3, v12;
	v11 =	vshra.s32 v11, $0xF;
	v9 =	vadd.f32 $1.000000000e+00, v9  }
0x8e: {  	[tilespmem:v6+s21+$0x0] =	vst.idx.add.f32.msk $0xffff, v2;
	v61 =	vadd.s32 v3, v11;
	v10 =	vshra.s32 v10, $0xF  }
0x8f: {  	[tilespmem:v7+s21+$0x0] =	vst.idx.add.f32.msk $0xffff, v2;
	v62 =	vadd.s32 v3, v10;
	v63 =	vshra.s32 v9, $0xF  }
0x90: {  	[tilespmem:v8+s21+$0x0] =	vst.idx.add.f32.msk $0xffff, v2;
	v3 =	vadd.s32 v3, v63  }
.Ltmp3:
0x91: {  	[tilespmem:v13+s21+$0x0] =	vst.idx.add.f32.msk $0xffff, v2;
	(pc) =	sbr.rel @p0 .LBB2_9-.Ltmp3, $4  }
0x92: {  	[tilespmem:v60+s21+$0x0] =	vst.idx.add.f32.msk $0xffff, v2  }
0x93: {  	[tilespmem:v61+s21+$0x0] =	vst.idx.add.f32.msk $0xffff, v2  }
0x94: {  	[tilespmem:v62+s21+$0x0] =	vst.idx.add.f32.msk $0xffff, v2  }
0x95: {  	s30 =	simm.s32 $0x0;
	[tilespmem:v3+s21+$0x0] =	vst.idx.add.f32.msk $0xffff, v2  }
0x96: {  	s2 =	sadd.s32 $0xC000, s2  }
0x97: {  	s6 =	sand.u32 $0x1C0000, s2  }
.Ltmp4:
0x98: {  	s2 =	sand.u32 $0x3C000, s2;
	s6 =	sadd.s32 s5, s6;
	(pc) =	sbr.rel .LBB2_4-.Ltmp4, $4  }
0x99: {  	s2 =	sor.u32 s2, s6  }
0x9a: {  	s2 =	sshrl.u32 s2, $0x3  }
0x9b: {  	s0 =	sadd.s32 $0x1, s0;
	s2 =	sadd.s32 s1, s2  }
0x9c: {  	[tilespmem:s17], [sflag:$0x2] =	stream.linear.gather [hbm4b:s2+s4], $0x4000, $0x38;
	[tilespmem:$0x16600] =	vst v63  }
.LBB2_9:
0x9d: {  	s31 =	simm.s32 $0x0  }
.LBB2_10:
0x9e: {  	_ =	swait.ge [sflag:s23], $0x4000;
	s0 =	simm.s32 $0x0  }
0x9f: {  	s2 =	sand.u32 $0xC00, s30;
	s6 =	simm.s32 $0x0;
	s0 =	sand.u32 $0x3000, s0  }
0xa0: {  	[sflag:s23] =	ssyncset.done $0x0;
	s6 =	sand.u32 $0x380, s6;
	s0 =	sor.u32 s2, s0  }
0xa1: {  	[sflag:s23] =	ssyncadd.s32 $0xFFFFC000;
	s0 =	sor.u32 s6, s0  }
0xa2: {  	v3 =	vld [tilespmem:s0+$0x8070]  }
0xa3: {  	v4 =	vld [tilespmem:s0+$0x8000]  }
0xa4: {  	v5 =	vld [tilespmem:s0+$0x8010];
	_ =	sdelay $0x1  }
0xa5: {  	s7 =	sshll.u32 s31, $0x9  }
0xa6: {  	s2 =	sand.u32 $0x3000, s7;
	v6 =	vadd.f32 $1.000000000e+00, v3  }
0xa7: {  	s2 =	sadd.s32 $0x3000, s2;
	v4 =	vadd.f32 $1.000000000e+00, v4  }
0xa8: {  	v3 =	vadd.s32 s2, v1;
	v5 =	vadd.f32 $1.000000000e+00, v5;
	v6 =	vshra.s32 v6, $0xF  }
0xa9: {  	v7 =	vld [tilespmem:s0+$0x8020];
	v4 =	vshra.s32 v4, $0xF;
	v6 =	vadd.s32 v3, v6  }
0xaa: {  	v8 =	vld [tilespmem:s0+$0x8030];
	v5 =	vshra.s32 v5, $0xF;
	v4 =	vadd.s32 v3, v4  }
0xab: {  	v9 =	vld [tilespmem:s0+$0x8040];
	v5 =	vadd.s32 v3, v5  }
0xac: {  	v10 =	vld [tilespmem:s0+$0x8050]  }
0xad: {  	s8 =	simm.s32 $0x80;
	v11 =	vld [tilespmem:s0+$0x8060];
	s0 =	simm.s32 $0x400  }
0xae: {  	s7 =	simm.s32 $0x20;
	s18 =	sand.u32 $0xC00, s0;
	s2 =	sand.u32 $0x3000, s8;
	[tilespmem:v6+s21+$0x0] =	vst.idx.add.f32.msk $0xffff, v2  }
0xaf: {  	s7 =	sand.u32 $0x380, s7;
	s2 =	sor.u32 s18, s2;
	[tilespmem:v4+s21+$0x0] =	vst.idx.add.f32.msk $0xffff, v2  }
0xb0: {  	s2 =	sor.u32 s7, s2;
	[tilespmem:v5+s21+$0x0] =	vst.idx.add.f32.msk $0xffff, v2  }
0xb1: {  	v4 =	vadd.f32 $1.000000000e+00, v7;
	v5 =	vld [tilespmem:s2+$0x8070]  }
0xb2: {  	v6 =	vadd.f32 $1.000000000e+00, v8;
	v7 =	vld [tilespmem:s2+$0x8000]  }
0xb3: {  	v8 =	vadd.f32 $1.000000000e+00, v9;
	v9 =	vld [tilespmem:s2+$0x8010];
	v4 =	vshra.s32 v4, $0xF  }
0xb4: {  	v13 =	vld [tilespmem:s2+$0x8020];
	v12 =	vadd.s32 v3, v4;
	v4 =	vshra.s32 v6, $0xF;
	v6 =	vadd.f32 $1.000000000e+00, v10  }
0xb5: {  	v14 =	vadd.s32 v3, v4;
	v4 =	vshra.s32 v8, $0xF;
	v8 =	vadd.f32 $1.000000000e+00, v11;
	v11 =	vld [tilespmem:s2+$0x8030]  }
0xb6: {  	v16 =	vld [tilespmem:s2+$0x8040];
	v15 =	vadd.s32 v3, v4;
	v4 =	vshra.s32 v6, $0xF;
	v6 =	vadd.f32 $1.000000000e+00, v5  }
0xb7: {  	v10 =	vld [tilespmem:s2+$0x8050];
	v7 =	vadd.f32 $1.000000000e+00, v7;
	v5 =	vadd.s32 v3, v4;
	v4 =	vshra.s32 v8, $0xF  }
0xb8: {  	v8 =	vadd.f32 $1.000000000e+00, v9;
	v9 =	vld [tilespmem:s2+$0x8060];
	v4 =	vadd.s32 v3, v4;
	v6 =	vshra.s32 v6, $0xF  }
0xb9: {  	v13 =	vadd.f32 $1.000000000e+00, v13;
	v7 =	vshra.s32 v7, $0xF;
	v6 =	vadd.s32 v3, v6;
	[tilespmem:v12+s21+$0x0] =	vst.idx.add.f32.msk $0xffff, v2  }
0xba: {  	v7 =	vadd.s32 v3, v7;
	v8 =	vshra.s32 v8, $0xF;
	v12 =	vadd.f32 $1.000000000e+00, v11;
	[tilespmem:v14+s21+$0x0] =	vst.idx.add.f32.msk $0xffff, v2  }
0xbb: {  	v13 =	vshra.s32 v13, $0xF;
	s2 =	simm.s32 $0x8;
	v8 =	vadd.s32 v3, v8;
	v11 =	vadd.f32 $1.000000000e+00, v16;
	[tilespmem:v15+s21+$0x0] =	vst.idx.add.f32.msk $0xffff, v2  }
.LBB2_11:
0xbc: {  	s2 =	sadd.s32 $0x8, s2;
	v13 =	vadd.s32 v3, v13;
	v12 =	vshra.s32 v12, $0xF;
	v10 =	vadd.f32 $1.000000000e+00, v10;
	[tilespmem:v5+s21+$0x0] =	vst.idx.add.f32.msk $0xffff, v2  }
0xbd: {  	s0 =	sadd.s32 $0x400, s0;
	s6 =	sshll.u32 s2, $0x4;
	p0 =	slt.u32 s2, $0x3F8;
	v14 =	vadd.s32 v3, v12;
	v5 =	vshra.s32 v11, $0xF;
	v9 =	vadd.f32 $1.000000000e+00, v9;
	[tilespmem:v4+s21+$0x0] =	vst.idx.add.f32.msk $0xffff, v2  }
0xbe: {  	s7 =	sand.u32 $0xC00, s0;
	s8 =	sshll.u32 s2, $0x2;
	s6 =	sand.u32 $0x3000, s6;
	v15 =	vadd.s32 v3, v5;
	v4 =	vshra.s32 v10, $0xF;
	[tilespmem:v6+s21+$0x0] =	vst.idx.add.f32.msk $0xffff, v2  }
0xbf: {  	s8 =	sand.u32 $0x380, s8;
	s6 =	sor.u32 s7, s6;
	[tilespmem:v7+s21+$0x0] =	vst.idx.add.f32.msk $0xffff, v2;
	v5 =	vadd.s32 v3, v4;
	v4 =	vshra.s32 v9, $0xF  }
0xc0: {  	s6 =	sor.u32 s8, s6;
	[tilespmem:v8+s21+$0x0] =	vst.idx.add.f32.msk $0xffff, v2;
	v4 =	vadd.s32 v3, v4  }
0xc1: {  	v6 =	vld [tilespmem:s6+$0x8070]  }
0xc2: {  	v7 =	vld [tilespmem:s6+$0x8000]  }
0xc3: {  	v8 =	vld [tilespmem:s6+$0x8010]  }
0xc4: {  	v11 =	vld [tilespmem:s6+$0x8020]  }
0xc5: {  	v12 =	vld [tilespmem:s6+$0x8030]  }
0xc6: {  	v16 =	vld [tilespmem:s6+$0x8040];
	v6 =	vadd.f32 $1.000000000e+00, v6  }
.Ltmp5:
0xc7: {  	v7 =	vadd.f32 $1.000000000e+00, v7;
	v10 =	vld [tilespmem:s6+$0x8050];
	(pc) =	sbr.rel @p0 .LBB2_11-.Ltmp5, $4  }
0xc8: {  	v8 =	vadd.f32 $1.000000000e+00, v8;
	v9 =	vld [tilespmem:s6+$0x8060];
	v6 =	vshra.s32 v6, $0xF  }
0xc9: {  	v7 =	vshra.s32 v7, $0xF;
	v11 =	vadd.f32 $1.000000000e+00, v11;
	v6 =	vadd.s32 v3, v6;
	[tilespmem:v13+s21+$0x0] =	vst.idx.add.f32.msk $0xffff, v2  }
0xca: {  	v7 =	vadd.s32 v3, v7;
	v8 =	vshra.s32 v8, $0xF;
	v12 =	vadd.f32 $1.000000000e+00, v12;
	[tilespmem:v14+s21+$0x0] =	vst.idx.add.f32.msk $0xffff, v2  }
0xcb: {  	v8 =	vadd.s32 v3, v8;
	v13 =	vshra.s32 v11, $0xF;
	v11 =	vadd.f32 $1.000000000e+00, v16;
	[tilespmem:v15+s21+$0x0] =	vst.idx.add.f32.msk $0xffff, v2  }
0xcc: {  	_ =	sdelay $0x3  }
0xcd: {  	v13 =	vadd.s32 v3, v13;
	v12 =	vshra.s32 v12, $0xF;
	v10 =	vadd.f32 $1.000000000e+00, v10;
	[tilespmem:v5+s21+$0x0] =	vst.idx.add.f32.msk $0xffff, v2  }
0xce: {  	[tilespmem:v4+s21+$0x0] =	vst.idx.add.f32.msk $0xffff, v2;
	v5 =	vadd.s32 v3, v12;
	v11 =	vshra.s32 v11, $0xF;
	v9 =	vadd.f32 $1.000000000e+00, v9  }
0xcf: {  	[tilespmem:v6+s21+$0x0] =	vst.idx.add.f32.msk $0xffff, v2;
	v4 =	vadd.s32 v3, v11;
	v10 =	vshra.s32 v10, $0xF  }
0xd0: {  	[tilespmem:v7+s21+$0x0] =	vst.idx.add.f32.msk $0xffff, v2;
	s0 =	sshll.u32 s31, $0xF;
	p0 =	seq.s32 s31, $0x17;
	v6 =	vadd.s32 v3, v10;
	v7 =	vshra.s32 v9, $0xF  }
0xd1: {  	[tilespmem:v8+s21+$0x0] =	vst.idx.add.f32.msk $0xffff, v2;
	s2 =	sadd.s32 @!p0 $0x8000, s0;
	v7 =	vadd.s32 v3, v7  }
0xd2: {  	s6 =	sand.u32 @!p0 $0x1C0000, s2;
	[tilespmem:v13+s21+$0x0] =	vst.idx.add.f32.msk $0xffff, v2  }
0xd3: {  	s2 =	sand.u32 @!p0 $0x38000, s2;
	s6 =	sadd.s32 @!p0 s5, s6;
	[tilespmem:v5+s21+$0x0] =	vst.idx.add.f32.msk $0xffff, v2  }
0xd4: {  	s2 =	sor.u32 @!p0 s2, s6;
	[tilespmem:v4+s21+$0x0] =	vst.idx.add.f32.msk $0xffff, v2  }
0xd5: {  	s2 =	sshrl.u32 @!p0 s2, $0x3;
	[tilespmem:v6+s21+$0x0] =	vst.idx.add.f32.msk $0xffff, v2  }
0xd6: {  	s7 =	simm.s32 @!p0 $0x8000;
	s6 =	simm.s32 @!p0 $0x0;
	s2 =	sadd.s32 @!p0 s3, s2;
	[tilespmem:v7+s21+$0x0] =	vst.idx.add.f32.msk $0xffff, v2  }
0xd7: {  	[tilespmem:s7], [sflag:$0x3] =	stream.linear.gather @!p0 [hbm4b:s2+s6], $0x4000, $0x38;
	[tilespmem:$0x16600] =	vst v63  }
0xd8: {  	s8 =	simm.s32 $0x0;
	s18 =	simm.s32 $0x0;
	s7 =	simm.s32 $0x0  }
0xd9: {  	s6 =	sand.u32 $0x3000, s8;
	_ =	swait.ge [sflag:s24], $0x4000;
	s2 =	sand.u32 $0xC00, s7  }
0xda: {  	s7 =	sand.u32 $0x380, s18;
	[sflag:s24] =	ssyncset.done $0x0;
	s2 =	sor.u32 s2, s6  }
0xdb: {  	[sflag:s24] =	ssyncadd.s32 $0xFFFFC000;
	s2 =	sor.u32 s7, s2  }
0xdc: {  	v4 =	vld [tilespmem:s2+$0xC070]  }
0xdd: {  	v5 =	vld [tilespmem:s2+$0xC000]  }
0xde: {  	v6 =	vld [tilespmem:s2+$0xC010];
	_ =	sdelay $0x2  }
0xdf: {  	v4 =	vadd.f32 $1.000000000e+00, v4  }
0xe0: {  	v5 =	vadd.f32 $1.000000000e+00, v5  }
0xe1: {  	v6 =	vadd.f32 $1.000000000e+00, v6;
	v4 =	vshra.s32 v4, $0xF  }
0xe2: {  	v7 =	vld [tilespmem:s2+$0xC020];
	v5 =	vshra.s32 v5, $0xF;
	v4 =	vadd.s32 v3, v4  }
0xe3: {  	v8 =	vld [tilespmem:s2+$0xC030];
	v6 =	vshra.s32 v6, $0xF;
	v5 =	vadd.s32 v3, v5  }
0xe4: {  	v9 =	vld [tilespmem:s2+$0xC040];
	v6 =	vadd.s32 v3, v6  }
0xe5: {  	v10 =	vld [tilespmem:s2+$0xC050]  }
0xe6: {  	s8 =	simm.s32 $0x80;
	v11 =	vld [tilespmem:s2+$0xC060];
	s2 =	simm.s32 $0x400  }
0xe7: {  	s6 =	sand.u32 $0x3000, s8;
	s8 =	simm.s32 $0x20;
	s18 =	sand.u32 $0xC00, s2;
	[tilespmem:v4+s21+$0x0] =	vst.idx.add.f32.msk $0xffff, v2  }
0xe8: {  	s8 =	sand.u32 $0x380, s8;
	s6 =	sor.u32 s18, s6;
	[tilespmem:v5+s21+$0x0] =	vst.idx.add.f32.msk $0xffff, v2  }
0xe9: {  	s6 =	sor.u32 s8, s6;
	[tilespmem:v6+s21+$0x0] =	vst.idx.add.f32.msk $0xffff, v2  }
0xea: {  	v4 =	vadd.f32 $1.000000000e+00, v7;
	v5 =	vld [tilespmem:s6+$0xC070]  }
0xeb: {  	v6 =	vadd.f32 $1.000000000e+00, v8;
	v7 =	vld [tilespmem:s6+$0xC000]  }
0xec: {  	v8 =	vadd.f32 $1.000000000e+00, v9;
	v9 =	vld [tilespmem:s6+$0xC010];
	v4 =	vshra.s32 v4, $0xF  }
0xed: {  	v13 =	vld [tilespmem:s6+$0xC020];
	v12 =	vadd.s32 v3, v4;
	v4 =	vshra.s32 v6, $0xF;
	v6 =	vadd.f32 $1.000000000e+00, v10  }
0xee: {  	v14 =	vadd.s32 v3, v4;
	v4 =	vshra.s32 v8, $0xF;
	v8 =	vadd.f32 $1.000000000e+00, v11;
	v11 =	vld [tilespmem:s6+$0xC030]  }
0xef: {  	v16 =	vld [tilespmem:s6+$0xC040];
	v15 =	vadd.s32 v3, v4;
	v4 =	vshra.s32 v6, $0xF;
	v6 =	vadd.f32 $1.000000000e+00, v5  }
0xf0: {  	v10 =	vld [tilespmem:s6+$0xC050];
	v7 =	vadd.f32 $1.000000000e+00, v7;
	v5 =	vadd.s32 v3, v4;
	v4 =	vshra.s32 v8, $0xF  }
0xf1: {  	v8 =	vadd.f32 $1.000000000e+00, v9;
	v9 =	vld [tilespmem:s6+$0xC060];
	v4 =	vadd.s32 v3, v4;
	v6 =	vshra.s32 v6, $0xF  }
0xf2: {  	v13 =	vadd.f32 $1.000000000e+00, v13;
	v7 =	vshra.s32 v7, $0xF;
	v6 =	vadd.s32 v3, v6;
	[tilespmem:v12+s21+$0x0] =	vst.idx.add.f32.msk $0xffff, v2  }
0xf3: {  	v7 =	vadd.s32 v3, v7;
	v8 =	vshra.s32 v8, $0xF;
	v12 =	vadd.f32 $1.000000000e+00, v11;
	[tilespmem:v14+s21+$0x0] =	vst.idx.add.f32.msk $0xffff, v2  }
0xf4: {  	s18 =	simm.s32 $0x8;
	v13 =	vshra.s32 v13, $0xF;
	v8 =	vadd.s32 v3, v8;
	v11 =	vadd.f32 $1.000000000e+00, v16;
	[tilespmem:v15+s21+$0x0] =	vst.idx.add.f32.msk $0xffff, v2  }
.LBB2_13:
0xf5: {  	s18 =	sadd.s32 $0x8, s18;
	v13 =	vadd.s32 v3, v13;
	v12 =	vshra.s32 v12, $0xF;
	v10 =	vadd.f32 $1.000000000e+00, v10;
	[tilespmem:v5+s21+$0x0] =	vst.idx.add.f32.msk $0xffff, v2  }
0xf6: {  	s2 =	sadd.s32 $0x400, s2;
	s6 =	sshll.u32 s18, $0x4;
	p1 =	slt.u32 s18, $0x3F8;
	v14 =	vadd.s32 v3, v12;
	v5 =	vshra.s32 v11, $0xF;
	v9 =	vadd.f32 $1.000000000e+00, v9;
	[tilespmem:v4+s21+$0x0] =	vst.idx.add.f32.msk $0xffff, v2  }
0xf7: {  	s7 =	sand.u32 $0xC00, s2;
	s8 =	sshll.u32 s18, $0x2;
	s6 =	sand.u32 $0x3000, s6;
	v15 =	vadd.s32 v3, v5;
	v4 =	vshra.s32 v10, $0xF;
	[tilespmem:v6+s21+$0x0] =	vst.idx.add.f32.msk $0xffff, v2  }
0xf8: {  	s8 =	sand.u32 $0x380, s8;
	s6 =	sor.u32 s7, s6;
	[tilespmem:v7+s21+$0x0] =	vst.idx.add.f32.msk $0xffff, v2;
	v5 =	vadd.s32 v3, v4;
	v4 =	vshra.s32 v9, $0xF  }
0xf9: {  	s6 =	sor.u32 s8, s6;
	[tilespmem:v8+s21+$0x0] =	vst.idx.add.f32.msk $0xffff, v2;
	v4 =	vadd.s32 v3, v4  }
0xfa: {  	v6 =	vld [tilespmem:s6+$0xC070]  }
0xfb: {  	v7 =	vld [tilespmem:s6+$0xC000]  }
0xfc: {  	v8 =	vld [tilespmem:s6+$0xC010]  }
0xfd: {  	v11 =	vld [tilespmem:s6+$0xC020]  }
0xfe: {  	v12 =	vld [tilespmem:s6+$0xC030]  }
0xff: {  	v16 =	vld [tilespmem:s6+$0xC040];
	v6 =	vadd.f32 $1.000000000e+00, v6  }
.Ltmp6:
0x100: {  	v7 =	vadd.f32 $1.000000000e+00, v7;
	v10 =	vld [tilespmem:s6+$0xC050];
	(pc) =	sbr.rel @p1 .LBB2_13-.Ltmp6, $4  }
0x101: {  	v8 =	vadd.f32 $1.000000000e+00, v8;
	v9 =	vld [tilespmem:s6+$0xC060];
	v6 =	vshra.s32 v6, $0xF  }
0x102: {  	v7 =	vshra.s32 v7, $0xF;
	v11 =	vadd.f32 $1.000000000e+00, v11;
	v6 =	vadd.s32 v3, v6;
	[tilespmem:v13+s21+$0x0] =	vst.idx.add.f32.msk $0xffff, v2  }
0x103: {  	v7 =	vadd.s32 v3, v7;
	v8 =	vshra.s32 v8, $0xF;
	v12 =	vadd.f32 $1.000000000e+00, v12;
	[tilespmem:v14+s21+$0x0] =	vst.idx.add.f32.msk $0xffff, v2  }
0x104: {  	v8 =	vadd.s32 v3, v8;
	v13 =	vshra.s32 v11, $0xF;
	v11 =	vadd.f32 $1.000000000e+00, v16;
	[tilespmem:v15+s21+$0x0] =	vst.idx.add.f32.msk $0xffff, v2  }
0x105: {  	_ =	sdelay $0x3  }
0x106: {  	v13 =	vadd.s32 v3, v13;
	v12 =	vshra.s32 v12, $0xF;
	v10 =	vadd.f32 $1.000000000e+00, v10;
	[tilespmem:v5+s21+$0x0] =	vst.idx.add.f32.msk $0xffff, v2  }
0x107: {  	[tilespmem:v4+s21+$0x0] =	vst.idx.add.f32.msk $0xffff, v2;
	v60 =	vadd.s32 v3, v12;
	v11 =	vshra.s32 v11, $0xF;
	v9 =	vadd.f32 $1.000000000e+00, v9  }
0x108: {  	[tilespmem:v6+s21+$0x0] =	vst.idx.add.f32.msk $0xffff, v2;
	v61 =	vadd.s32 v3, v11;
	v10 =	vshra.s32 v10, $0xF  }
0x109: {  	[tilespmem:v7+s21+$0x0] =	vst.idx.add.f32.msk $0xffff, v2;
	v62 =	vadd.s32 v3, v10;
	v63 =	vshra.s32 v9, $0xF  }
0x10a: {  	[tilespmem:v8+s21+$0x0] =	vst.idx.add.f32.msk $0xffff, v2;
	v3 =	vadd.s32 v3, v63  }
.Ltmp7:
0x10b: {  	[tilespmem:v13+s21+$0x0] =	vst.idx.add.f32.msk $0xffff, v2;
	(pc) =	sbr.rel @p0 .LBB2_15-.Ltmp7, $4  }
0x10c: {  	[tilespmem:v60+s21+$0x0] =	vst.idx.add.f32.msk $0xffff, v2  }
0x10d: {  	[tilespmem:v61+s21+$0x0] =	vst.idx.add.f32.msk $0xffff, v2  }
0x10e: {  	[tilespmem:v62+s21+$0x0] =	vst.idx.add.f32.msk $0xffff, v2  }
0x10f: {  	[tilespmem:v3+s21+$0x0] =	vst.idx.add.f32.msk $0xffff, v2  }
0x110: {  	s0 =	sadd.s32 $0xC000, s0  }
0x111: {  	s2 =	sand.u32 $0x1C0000, s0  }
.Ltmp8:
0x112: {  	s0 =	sand.u32 $0x3C000, s0;
	s2 =	sadd.s32 s5, s2;
	(pc) =	sbr.rel .LBB2_10-.Ltmp8, $4  }
0x113: {  	s0 =	sor.u32 s0, s2  }
0x114: {  	s0 =	sshrl.u32 s0, $0x3  }
0x115: {  	s31 =	sadd.s32 $0x1, s31;
	s0 =	sadd.s32 s3, s0  }
0x116: {  	[tilespmem:s19], [sflag:$0x4] =	stream.linear.gather [hbm4b:s0+s4], $0x4000, $0x38;
	[tilespmem:$0x16600] =	vst v63  }
.LBB2_15:
0x117: {  	s0 =	simm.s32 $0x0;
	s2 =	simm.s32 $0x0  }
0x118: {  	s6 =	sand.u32 $0xF0, s0;
	s8 =	sand.u32 $0x3FFFF000, s2  }
0x119: {  	s0 =	sor.u32 s6, s8  }
0x11a: {  	s7 =	sadd.s32 $0x10000, s0;
	v4 =	vld [tilespmem:s0+$0x10000]  }
0x11b: {  	v5 =	vld [tilespmem:s7+$0x100]  }
0x11c: {  	v6 =	vld [tilespmem:s7+$0x200]  }
0x11d: {  	v8 =	vld [tilespmem:s7+$0x300]  }
0x11e: {  	v9 =	vld [tilespmem:s7+$0x400]  }
0x11f: {  	v10 =	vld [tilespmem:s7+$0x500]  }
0x120: {  	v11 =	vld [tilespmem:s7+$0x600]  }
0x121: {  	v12 =	vld [tilespmem:s7+$0x700]  }
0x122: {  	v13 =	vld [tilespmem:s7+$0x800]  }
0x123: {  	v14 =	vld [tilespmem:s7+$0x900]  }
0x124: {  	v15 =	vld [tilespmem:s7+$0xA00]  }
0x125: {  	v16 =	vld [tilespmem:s7+$0xB00]  }
0x126: {  	v17 =	vld [tilespmem:s7+$0xC00]  }
0x127: {  	s2 =	simm.s32 $0x10;
	s8 =	simm.s32 $0x100;
	v18 =	vld [tilespmem:s7+$0xD00]  }
0x128: {  	s0 =	sand.u32 $0xF0, s2;
	s8 =	sand.u32 $0x3FFFF000, s8;
	v19 =	vld [tilespmem:s7+$0xE00]  }
0x129: {  	s8 =	sor.u32 s0, s8;
	v20 =	vld [tilespmem:s7+$0xF00]  }
0x12a: {  	s30 =	sadd.s32 $0x10000, s8;
	v7 =	vld [tilespmem:s8+$0x10000]  }
0x12b: {  	v3 =	vld [tilespmem:s30+$0x100];
	v21 =	vadd.f32 v5, v4;
	v22 =	vadd.f32 v8, v6  }
0x12c: {  	v4 =	vld [tilespmem:s30+$0x200];
	v9 =	vadd.f32 v10, v9;
	v10 =	vadd.f32 v12, v11  }
0x12d: {  	v5 =	vld [tilespmem:s30+$0x300];
	v11 =	vadd.f32 v14, v13;
	v12 =	vadd.f32 v16, v15  }
0x12e: {  	v6 =	vld [tilespmem:s30+$0x400];
	v13 =	vadd.f32 v18, v17;
	v14 =	vadd.f32 v20, v19  }
0x12f: {  	v8 =	vld [tilespmem:s30+$0x500];
	v15 =	vadd.f32 v22, v21;
	v16 =	vadd.f32 v10, v9  }
0x130: {  	v9 =	vld [tilespmem:s30+$0x600];
	v12 =	vadd.f32 v12, v11;
	v13 =	vadd.f32 v14, v13  }
0x131: {  	v11 =	vld [tilespmem:s30+$0x700]  }
0x132: {  	v10 =	vld [tilespmem:s30+$0x800];
	v14 =	vadd.f32 v16, v15;
	v15 =	vadd.f32 v13, v12  }
0x133: {  	s18 =	simm.s32 $0x0;
	v12 =	vld [tilespmem:s30+$0x900]  }
0x134: {  	s7 =	sand.u32 $0x3FFFFF00, s18;
	v13 =	vld [tilespmem:s30+$0xA00];
	v15 =	vadd.f32 v15, v14  }
0x135: {  	s31 =	simm.s32 $0x1;
	s18 =	simm.s32 $0x2;
	s6 =	sor.u32 s6, s7;
	v14 =	vld [tilespmem:s30+$0xB00]  }
.LBB2_16:
0x136: {  	p0 =	sne.s32 s18, $0x5F;
	v16 =	vld [tilespmem:s30+$0xC00];
	[tilespmem:s6+$0x16000] =	vst v15  }
0x137: {  	s6 =	sshll.u32 s18, $0x8;
	s2 =	sadd.s32 $0x10, s2;
	v15 =	vld [tilespmem:s30+$0xD00]  }
0x138: {  	s7 =	sand.u32 $0xF0, s2;
	s6 =	sand.u32 $0x3FFFF000, s6;
	v17 =	vld [tilespmem:s30+$0xE00]  }
0x139: {  	s6 =	sor.u32 s7, s6;
	v18 =	vld [tilespmem:s30+$0xF00]  }
0x13a: {  	s30 =	sadd.s32 $0x10000, s6;
	v19 =	vld [tilespmem:s6+$0x10000]  }
0x13b: {  	v7 =	vadd.f32 v3, v7;
	v20 =	vadd.f32 v5, v4;
	v3 =	vld [tilespmem:s30+$0x100]  }
0x13c: {  	v21 =	vadd.f32 v8, v6;
	v9 =	vadd.f32 v11, v9;
	v4 =	vld [tilespmem:s30+$0x200]  }
0x13d: {  	v10 =	vadd.f32 v12, v10;
	v11 =	vadd.f32 v14, v13;
	v5 =	vld [tilespmem:s30+$0x300]  }
0x13e: {  	v12 =	vadd.f32 v15, v16;
	v6 =	vld [tilespmem:s30+$0x400];
	v13 =	vadd.f32 v18, v17  }
0x13f: {  	v14 =	vadd.f32 v20, v7;
	v15 =	vadd.f32 v9, v21;
	v8 =	vld [tilespmem:s30+$0x500];
	v7 =	vmov v19  }
0x140: {  	v16 =	vadd.f32 v11, v10;
	v9 =	vld [tilespmem:s30+$0x600];
	v12 =	vadd.f32 v13, v12  }
.Ltmp9:
0x141: {  	v11 =	vld [tilespmem:s30+$0x700];
	(pc) =	sbr.rel @p0 .LBB2_16-.Ltmp9, $4  }
0x142: {  	v14 =	vadd.f32 v15, v14;
	v10 =	vld [tilespmem:s30+$0x800];
	v15 =	vadd.f32 v12, v16  }
0x143: {  	s6 =	sshll.u32 s31, $0x4;
	s31 =	smov.u32 s18;
	v12 =	vld [tilespmem:s30+$0x900]  }
0x144: {  	s6 =	sand.u32 $0x3FFFFF00, s6;
	v13 =	vld [tilespmem:s30+$0xA00];
	v15 =	vadd.f32 v15, v14  }
0x145: {  	s18 =	sadd.s32 $0x1, s18;
	s6 =	sor.u32 s0, s6;
	s0 =	smov.u32 s7;
	v14 =	vld [tilespmem:s30+$0xB00]  }
0x146: {  	v16 =	vld [tilespmem:s30+$0xC00]  }
0x147: {  	v17 =	vld [tilespmem:s30+$0xD00]  }
0x148: {  	v18 =	vld [tilespmem:s30+$0xE00]  }
0x149: {  	v19 =	vld [tilespmem:s30+$0xF00];
	_ =	sdelay $0x1  }
0x14a: {  	v3 =	vadd.f32 v3, v7;
	v4 =	vadd.f32 v5, v4  }
0x14b: {  	v54 =	vadd.f32 v8, v6;
	v55 =	vadd.f32 v11, v9  }
0x14c: {  	v56 =	vadd.f32 v12, v10;
	v57 =	vadd.f32 v14, v13  }
0x14d: {  	v58 =	vadd.f32 v17, v16;
	v59 =	vadd.f32 v19, v18  }
0x14e: {  	v3 =	vadd.f32 v4, v3;
	v60 =	vadd.f32 v55, v54  }
0x14f: {  	v61 =	vadd.f32 v57, v56;
	v62 =	vadd.f32 v59, v58;
	_ =	sdelay $0x1  }
0x150: {  	v3 =	vadd.f32 v60, v3;
	v63 =	vadd.f32 v62, v61  }
0x151: {  	s2 =	sshll.u32 s31, $0x4  }
0x152: {  	s2 =	sand.u32 $0x3FFFFF00, s2;
	v3 =	vadd.f32 v63, v3  }
0x153: {  	[tilespmem:s6+$0x16000] =	vst v15;
	s0 =	sor.u32 s0, s2  }
0x154: {  	s6 =	simm.s32 $0x16000;
	[tilespmem:s0+$0x16000] =	vst v3  }
0x155: {  	[hbm4b:s10+s25] =	stream.strided.scatter [tilespmem:s6], [sflag:$0x5], $0x100, s26, s25, $0x38;
	[tilespmem:$0x16600] =	vst v63  }
0x156: {  	_ =	swait.ge [sflag:s29], $0x100  }
0x157: {  	[sflag:s29] =	ssyncset.done $0x0  }
0x158: {  	s7 =	simm.s32 $0x16100;
	[sflag:s29] =	ssyncadd.s32 $0xFFFFFF00  }
0x159: {  	[hbm4b:s11+s25] =	stream.strided.scatter [tilespmem:s7], [sflag:$0x5], $0x100, s26, s25, $0x38;
	[tilespmem:$0x16600] =	vst v63  }
0x15a: {  	_ =	swait.ge [sflag:s29], $0x100  }
0x15b: {  	[sflag:s29] =	ssyncset.done $0x0  }
0x15c: {  	s8 =	simm.s32 $0x16200;
	[sflag:s29] =	ssyncadd.s32 $0xFFFFFF00  }
0x15d: {  	[hbm4b:s12+s25] =	stream.strided.scatter [tilespmem:s8], [sflag:$0x5], $0x100, s26, s25, $0x38;
	[tilespmem:$0x16600] =	vst v63  }
0x15e: {  	_ =	swait.ge [sflag:s29], $0x100  }
0x15f: {  	[sflag:s29] =	ssyncset.done $0x0  }
0x160: {  	s18 =	simm.s32 $0x16300;
	[sflag:s29] =	ssyncadd.s32 $0xFFFFFF00  }
0x161: {  	[hbm4b:s13+s25] =	stream.strided.scatter [tilespmem:s18], [sflag:$0x5], $0x100, s26, s25, $0x38;
	[tilespmem:$0x16600] =	vst v63  }
0x162: {  	_ =	swait.ge [sflag:s29], $0x100  }
0x163: {  	[sflag:s29] =	ssyncset.done $0x0  }
0x164: {  	s30 =	simm.s32 $0x16400;
	[sflag:s29] =	ssyncadd.s32 $0xFFFFFF00  }
0x165: {  	[hbm4b:s14+s25] =	stream.strided.scatter [tilespmem:s30], [sflag:$0x5], $0x100, s26, s25, $0x38;
	[tilespmem:$0x16600] =	vst v63  }
0x166: {  	s28 =	sadd.s32 $0x1, s28;
	_ =	swait.ge [sflag:s29], $0x100  }
0x167: {  	p0 =	sne.s32 s28, s16;
	[sflag:s29] =	ssyncset.done $0x0  }
.Ltmp10:
0x168: {  	s31 =	simm.s32 $0x16500;
	[sflag:s29] =	ssyncadd.s32 $0xFFFFFF00;
	(pc) =	sbr.rel @p0 .LBB2_1-.Ltmp10, $4  }
0x169: {  	[hbm4b:s15+s25] =	stream.strided.scatter [tilespmem:s31], [sflag:$0x5], $0x100, s26, s25, $0x38;
	[tilespmem:$0x16600] =	vst v63  }
0x16a: {  	_ =	swait.ge [sflag:s29], $0x100  }
0x16b: {  	[sflag:s29] =	ssyncset.done $0x0  }
0x16c: {  	[sflag:s29] =	ssyncadd.s32 $0xFFFFFF00  }
0x16d: {  	_ =	sfence.sel $0x180000  }
0x16e: {  	[bflag:$0x0] =	sbarrier.arrive $0xFFFF  }
0x16f: {  	_ =	strace $0x90000047  }
0x170: {  	s0 =	stileid.u32;
	[bflag:$0x2] =	sbarrier.arrive $0xFFFF  }
0x171: {  	p0 =	sne.s32 s0, $0x0;
	s0 =	rddreg [dreg:$0x3]  }
0x172: {  	s0 =	sadd.s32 @!p0 $0x100000, s0  }
0x173: {  	[sflag:s0] =	ssyncadd.tile.s32 @!p0 $0x1;
	_ =	shalt  }
.Lfunc_end2:
_tile_overlayer_lowered:
.L_overlay_start_2:
0x174: {  	(tag) =	ssettag $0x2  }
0x175: {  	s0 =	rddreg [dreg:$0x0];
	s2 =	stileid.u32  }
0x176: {  	s1 =	rddreg [dreg:$0x1];
	p0 =	sne.s32 s2, $0x0  }
0x177: {  	s3 =	rddreg [dreg:$0x2];
	[bflag:$0x3] =	sbarrier.arrive $0xFFFF;
	s2 =	simm.s32 @!p0 $0x1C05  }
0x178: {  	[timem:s3], [sflag:s2] =	dma.local @!p0 [hbm:s0], s1  }
0x179: {  	s0 =	simm.s32 @!p0 $0x5  }
0x17a: {  	_ =	swait.ge @!p0 [sflag:s0], s1  }
0x17b: {  	s1 =	ssub.s32 @!p0 $0x0, s1;
	[sflag:s0] =	ssyncset.done @!p0 $0x0  }
0x17c: {  	[sflag:s0] =	ssyncadd.s32 @!p0 s1  }
0x17d: {  	[bflag:$0x3] =	sbarrier.arrive $0xFFFF  }
0x17e: {  	_ =	shalt  }

</sc_bundles>
